<compile_context>
chip_gen: v7x
topology: tpu7x:2x2x1
jax: 0.10.2.dev20260603
libtpu: 0.0.44.dev20260713+nightly
codegen_flags: <defaults>
</compile_context>

<pallas_src>
import functools

import jax
import jax.numpy as jnp
import numpy as np
from jax.experimental import pallas as pl
from jax.experimental.pallas import tpu as pltpu

_PRE = 2000
_POST = 1000
_THRESH = 0.7
_IMG_W = 800.0
_IMG_H = 800.0
_CLIP = float(np.log(1000.0 / 16.0))


def _decode_clip(dx, dy, dw, dh, ax1, ay1, ax2, ay2):
    dw = jnp.minimum(dw, _CLIP)
    dh = jnp.minimum(dh, _CLIP)
    widths = ax2 - ax1 + 1.0
    heights = ay2 - ay1 + 1.0
    ctr_x = ax1 + 0.5 * widths
    ctr_y = ay1 + 0.5 * heights
    pred_ctr_x = dx * widths + ctr_x
    pred_ctr_y = dy * heights + ctr_y
    pred_w = jnp.exp(dw) * widths
    pred_h = jnp.exp(dh) * heights
    x1 = jnp.clip(pred_ctr_x - 0.5 * pred_w, 0.0, _IMG_W - 1.0)
    y1 = jnp.clip(pred_ctr_y - 0.5 * pred_h, 0.0, _IMG_H - 1.0)
    x2 = jnp.clip(pred_ctr_x + 0.5 * pred_w - 1.0, 0.0, _IMG_W - 1.0)
    y2 = jnp.clip(pred_ctr_y + 0.5 * pred_h - 1.0, 0.0, _IMG_H - 1.0)
    return x1, y1, x2, y2


def _rpn_kernel(obj_ref, regt_ref, ancht_ref, reg_ref, anch_ref, out_ref,
                bnat_ref, a_ref):
    f32 = jnp.float32

    x1v, y1v, x2v, y2v = _decode_clip(
        regt_ref[0:1, :], regt_ref[1:2, :], regt_ref[2:3, :], regt_ref[3:4, :],
        ancht_ref[0:1, :], ancht_ref[1:2, :], ancht_ref[2:3, :], ancht_ref[3:4, :],
    )
    area_v = (x2v - x1v + 1.0) * (y2v - y1v + 1.0)
    scores = jax.nn.sigmoid(obj_ref[...])

    x1c, y1c, x2c, y2c = _decode_clip(
        reg_ref[:, 0:1], reg_ref[:, 1:2], reg_ref[:, 2:3], reg_ref[:, 3:4],
        anch_ref[:, 0:1], anch_ref[:, 1:2], anch_ref[:, 2:3], anch_ref[:, 3:4],
    )
    bnat_ref[:, 0:1] = x1c
    bnat_ref[:, 1:2] = y1c
    bnat_ref[:, 2:3] = x2c
    bnat_ref[:, 3:4] = y2c

    lane = jax.lax.broadcasted_iota(jnp.int32, (1, _PRE), 1)

    strip = 250
    for r0 in range(0, _PRE, strip):
        x1s = bnat_ref[r0:r0 + strip, 0:1]
        y1s = bnat_ref[r0:r0 + strip, 1:2]
        x2s = bnat_ref[r0:r0 + strip, 2:3]
        y2s = bnat_ref[r0:r0 + strip, 3:4]
        iw = jnp.maximum(jnp.minimum(x2s, x2v) - jnp.maximum(x1s, x1v) + 1.0, 0.0)
        ih = jnp.maximum(jnp.minimum(y2s, y2v) - jnp.maximum(y1s, y1v) + 1.0, 0.0)
        inter = iw * ih
        area_s = (x2s - x1s + 1.0) * (y2s - y1s + 1.0)
        iou = inter / (area_s + area_v - inter)
        rows_g = jax.lax.broadcasted_iota(jnp.int32, (strip, _PRE), 0) + r0
        a_ref[r0:r0 + strip, :] = ((iou > _THRESH) & (rows_g < lane)).astype(jnp.bfloat16)

    def fix_cond(carry):
        return carry[1]

    def fix_body(carry):
        keep, _ = carry
        v = jnp.dot(keep.astype(jnp.bfloat16), a_ref[...],
                    preferred_element_type=f32)
        new = (v < 0.5).astype(f32)
        return new, jnp.any(new != keep)

    keep, _ = jax.lax.while_loop(
        fix_cond, fix_body, (jnp.ones((1, _PRE), f32), jnp.bool_(True))
    )

    tri = (jax.lax.broadcasted_iota(jnp.int32, (_PRE, _PRE), 0)
           <= jax.lax.broadcasted_iota(jnp.int32, (_PRE, _PRE), 1)).astype(jnp.bfloat16)
    csum = jnp.dot(keep.astype(jnp.bfloat16), tri,
                   preferred_element_type=f32)
    nkept = csum[0, _PRE - 1]
    lanef = lane.astype(f32)
    pos = jnp.where(keep > 0.5, csum - 1.0, nkept + lanef - csum)

    rows = jax.lax.broadcasted_iota(jnp.int32, (_POST, _PRE), 0)
    onehot = (rows == pos.astype(jnp.int32)).astype(f32)
    out_ref[:, 0:4] = jnp.dot(onehot, bnat_ref[...], preferred_element_type=f32)
    masked = jnp.where(keep > 0.5, scores, -1.0)
    out_ref[:, 4:5] = jnp.sum(onehot * masked, axis=1, keepdims=True)


@jax.jit
def kernel(objectness, box_regression, anchors):
    top_obj, top_idx = jax.lax.top_k(objectness, _PRE)
    reg = jnp.take(box_regression, top_idx, axis=0)
    anch = jnp.take(anchors, top_idx, axis=0)
    return pl.pallas_call(
        _rpn_kernel,
        out_shape=jax.ShapeDtypeStruct((_POST, 5), jnp.float32),
        scratch_shapes=[
            pltpu.VMEM((_PRE, 4), jnp.float32),
            pltpu.VMEM((_PRE, _PRE), jnp.bfloat16),
        ],
    )(top_obj.reshape(1, _PRE), reg.T, anch.T, reg, anch)

# --- scband reference (transcript-rebuilt; emitter-appended) ---
"""Pipeline reference for scband-rpn-56667798503871 (READ-ONLY COPY).

The authoritative reference and input builder live on the scoring server;
editing this copy changes nothing except your own understanding.
"""

import jax, jax.numpy as jnp
import numpy as np

N_ANCHORS = 20000
PRE_NMS_TOP_N = 2000
POST_NMS_TOP_N = 1000
NMS_THRESH = 0.7
IMG_W = 800.0
IMG_H = 800.0
BBOX_XFORM_CLIP = float(np.log(1000.0 / 16.0))


def setup_inputs(seed: int = 0):
    key = jax.random.key(seed)
    k1, k2, k3, k4 = jax.random.split(key, 4)
    objectness = jax.random.normal(k1, (N_ANCHORS,), dtype=jnp.float32)
    box_regression = jax.random.normal(k2, (N_ANCHORS, 4), dtype=jnp.float32) * 0.5
    ctr = jax.random.uniform(k3, (N_ANCHORS, 2), minval=0.0, maxval=IMG_W, dtype=jnp.float32)
    wh = jax.random.uniform(k4, (N_ANCHORS, 2), minval=16.0, maxval=256.0, dtype=jnp.float32)
    anchors = jnp.concatenate([ctr - 0.5 * wh, ctr + 0.5 * wh], axis=1)
    return {"objectness": objectness, "box_regression": box_regression, "anchors": anchors}


def _decode(rel_codes, boxes):
    # BoxCoder.decode with weights (1,1,1,1), maskrcnn-benchmark convention (TO_REMOVE=1)
    TO_REMOVE = 1.0
    widths = boxes[:, 2] - boxes[:, 0] + TO_REMOVE
    heights = boxes[:, 3] - boxes[:, 1] + TO_REMOVE
    ctr_x = boxes[:, 0] + 0.5 * widths
    ctr_y = boxes[:, 1] + 0.5 * heights
    dx = rel_codes[:, 0]
    dy = rel_codes[:, 1]
    dw = jnp.minimum(rel_codes[:, 2], BBOX_XFORM_CLIP)
    dh = jnp.minimum(rel_codes[:, 3], BBOX_XFORM_CLIP)
    pred_ctr_x = dx * widths + ctr_x
    pred_ctr_y = dy * heights + ctr_y
    pred_w = jnp.exp(dw) * widths
    pred_h = jnp.exp(dh) * heights
    x1 = pred_ctr_x - 0.5 * pred_w
    y1 = pred_ctr_y - 0.5 * pred_h
    x2 = pred_ctr_x + 0.5 * pred_w - 1.0
    y2 = pred_ctr_y + 0.5 * pred_h - 1.0
    return jnp.stack([x1, y1, x2, y2], axis=1)


def _clip_to_image(boxes):
    x1 = jnp.clip(boxes[:, 0], 0.0, IMG_W - 1.0)
    y1 = jnp.clip(boxes[:, 1], 0.0, IMG_H - 1.0)
    x2 = jnp.clip(boxes[:, 2], 0.0, IMG_W - 1.0)
    y2 = jnp.clip(boxes[:, 3], 0.0, IMG_H - 1.0)
    return jnp.stack([x1, y1, x2, y2], axis=1)


def _pairwise_iou(boxes):
    TO_REMOVE = 1.0
    area = (boxes[:, 2] - boxes[:, 0] + TO_REMOVE) * (boxes[:, 3] - boxes[:, 1] + TO_REMOVE)
    lt = jnp.maximum(boxes[:, None, :2], boxes[None, :, :2])
    rb = jnp.minimum(boxes[:, None, 2:], boxes[None, :, 2:])
    wh = jnp.clip(rb - lt + TO_REMOVE, 0.0, None)
    inter = wh[..., 0] * wh[..., 1]
    return inter / (area[:, None] + area[None, :] - inter)


def _forward(objectness, box_regression, anchors):
    # RPN inference path (box_selector): sigmoid -> pre-NMS top-k -> decode -> clip -> greedy NMS -> post-NMS top-k
    scores = jax.nn.sigmoid(objectness)
    topk_scores, topk_idx = jax.lax.top_k(scores, PRE_NMS_TOP_N)
    reg = jnp.take(box_regression, topk_idx, axis=0)
    anch = jnp.take(anchors, topk_idx, axis=0)
    proposals = _clip_to_image(_decode(reg, anch))
    iou = jax.lax.stop_gradient(_pairwise_iou(proposals))
    idx_range = jnp.arange(PRE_NMS_TOP_N)

    def scan_body(keep, i):
        suppress = (iou[i] > NMS_THRESH) & (idx_range > i) & keep[i]
        keep = keep & (~suppress)
        return keep, None

    keep, _ = jax.lax.scan(scan_body, jnp.ones((PRE_NMS_TOP_N,), dtype=bool), idx_range)
    masked_scores = jnp.where(keep, topk_scores, -1.0)
    final_scores, final_idx = jax.lax.top_k(masked_scores, POST_NMS_TOP_N)
    final_boxes = jnp.take(proposals, final_idx, axis=0)
    return jnp.concatenate([final_boxes, final_scores[:, None]], axis=1)


def reference(objectness, box_regression, anchors):
    return _forward(objectness, box_regression, anchors)

if __name__ == "__main__":
    import jax
    _d = setup_inputs()
    print(jax.jit(kernel)(*tuple(_d.values())))

</pallas_src>

<mosaic_0001>
module attributes {stable_mosaic.version = 14 : i64} {
  func.func @_rpn_kernel(%arg0: memref<1x2000xf32, #tpu.memory_space<vmem>>, %arg1: memref<4x2000xf32, #tpu.memory_space<vmem>>, %arg2: memref<4x2000xf32, #tpu.memory_space<vmem>>, %arg3: memref<2000x4xf32, #tpu.memory_space<vmem>>, %arg4: memref<2000x4xf32, #tpu.memory_space<vmem>>, %arg5: memref<1000x5xf32, #tpu.memory_space<vmem>>, %arg6: memref<2000x4xf32, #tpu.memory_space<vmem>>, %arg7: memref<2000x2000xbf16, #tpu.memory_space<vmem>>) attributes {dimension_semantics = [], scalar_prefetch = 0 : i64, scratch_operands = 2 : i64, tpu.core_type = #tpu.core_type<tc>} {
    %get3A = arith.constant 0 : index
    %get3A_0 = arith.constant 0 : index
    %get3A_1 = vector.load %arg1[%get3A, %get3A_0] : memref<4x2000xf32, #tpu.memory_space<vmem>>, vector<1x2000xf32>
    %get3A_2 = arith.constant 1 : index
    %get3A_3 = arith.constant 0 : index
    %get3A_4 = vector.load %arg1[%get3A_2, %get3A_3] : memref<4x2000xf32, #tpu.memory_space<vmem>>, vector<1x2000xf32>
    %get3A_5 = arith.constant 2 : index
    %get3A_6 = arith.constant 0 : index
    %get3A_7 = vector.load %arg1[%get3A_5, %get3A_6] : memref<4x2000xf32, #tpu.memory_space<vmem>>, vector<1x2000xf32>
    %get3A_8 = arith.constant 3 : index
    %get3A_9 = arith.constant 0 : index
    %get3A_10 = vector.load %arg1[%get3A_8, %get3A_9] : memref<4x2000xf32, #tpu.memory_space<vmem>>, vector<1x2000xf32>
    %get3A_11 = arith.constant 0 : index
    %get3A_12 = arith.constant 0 : index
    %get3A_13 = vector.load %arg2[%get3A_11, %get3A_12] : memref<4x2000xf32, #tpu.memory_space<vmem>>, vector<1x2000xf32>
    %get3A_14 = arith.constant 1 : index
    %get3A_15 = arith.constant 0 : index
    %get3A_16 = vector.load %arg2[%get3A_14, %get3A_15] : memref<4x2000xf32, #tpu.memory_space<vmem>>, vector<1x2000xf32>
    %get3A_17 = arith.constant 2 : index
    %get3A_18 = arith.constant 0 : index
    %get3A_19 = vector.load %arg2[%get3A_17, %get3A_18] : memref<4x2000xf32, #tpu.memory_space<vmem>>, vector<1x2000xf32>
    %get3A_20 = arith.constant 3 : index
    %get3A_21 = arith.constant 0 : index
    %get3A_22 = vector.load %arg2[%get3A_20, %get3A_21] : memref<4x2000xf32, #tpu.memory_space<vmem>>, vector<1x2000xf32>
    %min3A = arith.constant 4.13516665 : f32
    %min3A_23 = vector.broadcast %min3A : f32 to vector<1x2000xf32>
    %min3A_24 = arith.minimumf %get3A_7, %min3A_23 : vector<1x2000xf32>
    %min3A_25 = arith.constant 4.13516665 : f32
    %min3A_26 = vector.broadcast %min3A_25 : f32 to vector<1x2000xf32>
    %min3A_27 = arith.minimumf %get3A_10, %min3A_26 : vector<1x2000xf32>
    %sub3A = arith.subf %get3A_19, %get3A_13 : vector<1x2000xf32>
    %add3A = arith.constant 1.000000e+00 : f32
    %add3A_28 = vector.broadcast %add3A : f32 to vector<1x2000xf32>
    %add3A_29 = arith.addf %sub3A, %add3A_28 : vector<1x2000xf32>
    %sub3A_30 = arith.subf %get3A_22, %get3A_16 : vector<1x2000xf32>
    %add3A_31 = arith.constant 1.000000e+00 : f32
    %add3A_32 = vector.broadcast %add3A_31 : f32 to vector<1x2000xf32>
    %add3A_33 = arith.addf %sub3A_30, %add3A_32 : vector<1x2000xf32>
    %mul3A = arith.constant 5.000000e-01 : f32
    %mul3A_34 = vector.broadcast %mul3A : f32 to vector<1x2000xf32>
    %mul3A_35 = arith.mulf %mul3A_34, %add3A_29 : vector<1x2000xf32>
    %add3A_36 = arith.addf %get3A_13, %mul3A_35 : vector<1x2000xf32>
    %mul3A_37 = arith.constant 5.000000e-01 : f32
    %mul3A_38 = vector.broadcast %mul3A_37 : f32 to vector<1x2000xf32>
    %mul3A_39 = arith.mulf %mul3A_38, %add3A_33 : vector<1x2000xf32>
    %add3A_40 = arith.addf %get3A_16, %mul3A_39 : vector<1x2000xf32>
    %mul3A_41 = arith.mulf %get3A_1, %add3A_29 : vector<1x2000xf32>
    %add3A_42 = arith.addf %mul3A_41, %add3A_36 : vector<1x2000xf32>
    %mul3A_43 = arith.mulf %get3A_4, %add3A_33 : vector<1x2000xf32>
    %add3A_44 = arith.addf %mul3A_43, %add3A_40 : vector<1x2000xf32>
    %exp3A = math.exp %min3A_24 : vector<1x2000xf32>
    %mul3A_45 = arith.mulf %exp3A, %add3A_29 : vector<1x2000xf32>
    %exp3A_46 = math.exp %min3A_27 : vector<1x2000xf32>
    %mul3A_47 = arith.mulf %exp3A_46, %add3A_33 : vector<1x2000xf32>
    %mul3A_48 = arith.constant 5.000000e-01 : f32
    %mul3A_49 = vector.broadcast %mul3A_48 : f32 to vector<1x2000xf32>
    %mul3A_50 = arith.mulf %mul3A_49, %mul3A_45 : vector<1x2000xf32>
    %sub3A_51 = arith.subf %add3A_42, %mul3A_50 : vector<1x2000xf32>
    %jit3A = arith.constant 0.000000e+00 : f32
    %jit3A_52 = arith.constant 7.990000e+02 : f32
    %max3A = vector.broadcast %jit3A : f32 to vector<1x2000xf32>
    %max3A_53 = arith.maximumf %max3A, %sub3A_51 : vector<1x2000xf32>
    %min3A_54 = vector.broadcast %jit3A_52 : f32 to vector<1x2000xf32>
    %min3A_55 = arith.minimumf %min3A_54, %max3A_53 : vector<1x2000xf32>
    %mul3A_56 = arith.constant 5.000000e-01 : f32
    %mul3A_57 = vector.broadcast %mul3A_56 : f32 to vector<1x2000xf32>
    %mul3A_58 = arith.mulf %mul3A_57, %mul3A_47 : vector<1x2000xf32>
    %sub3A_59 = arith.subf %add3A_44, %mul3A_58 : vector<1x2000xf32>
    %jit3A_60 = arith.constant 0.000000e+00 : f32
    %jit3A_61 = arith.constant 7.990000e+02 : f32
    %max3A_62 = vector.broadcast %jit3A_60 : f32 to vector<1x2000xf32>
    %max3A_63 = arith.maximumf %max3A_62, %sub3A_59 : vector<1x2000xf32>
    %min3A_64 = vector.broadcast %jit3A_61 : f32 to vector<1x2000xf32>
    %min3A_65 = arith.minimumf %min3A_64, %max3A_63 : vector<1x2000xf32>
    %mul3A_66 = arith.constant 5.000000e-01 : f32
    %mul3A_67 = vector.broadcast %mul3A_66 : f32 to vector<1x2000xf32>
    %mul3A_68 = arith.mulf %mul3A_67, %mul3A_45 : vector<1x2000xf32>
    %add3A_69 = arith.addf %add3A_42, %mul3A_68 : vector<1x2000xf32>
    %sub3A_70 = arith.constant 1.000000e+00 : f32
    %sub3A_71 = vector.broadcast %sub3A_70 : f32 to vector<1x2000xf32>
    %sub3A_72 = arith.subf %add3A_69, %sub3A_71 : vector<1x2000xf32>
    %jit3A_73 = arith.constant 0.000000e+00 : f32
    %jit3A_74 = arith.constant 7.990000e+02 : f32
    %max3A_75 = vector.broadcast %jit3A_73 : f32 to vector<1x2000xf32>
    %max3A_76 = arith.maximumf %max3A_75, %sub3A_72 : vector<1x2000xf32>
    %min3A_77 = vector.broadcast %jit3A_74 : f32 to vector<1x2000xf32>
    %min3A_78 = arith.minimumf %min3A_77, %max3A_76 : vector<1x2000xf32>
    %mul3A_79 = arith.constant 5.000000e-01 : f32
    %mul3A_80 = vector.broadcast %mul3A_79 : f32 to vector<1x2000xf32>
    %mul3A_81 = arith.mulf %mul3A_80, %mul3A_47 : vector<1x2000xf32>
    %add3A_82 = arith.addf %add3A_44, %mul3A_81 : vector<1x2000xf32>
    %sub3A_83 = arith.constant 1.000000e+00 : f32
    %sub3A_84 = vector.broadcast %sub3A_83 : f32 to vector<1x2000xf32>
    %sub3A_85 = arith.subf %add3A_82, %sub3A_84 : vector<1x2000xf32>
    %jit3A_86 = arith.constant 0.000000e+00 : f32
    %jit3A_87 = arith.constant 7.990000e+02 : f32
    %max3A_88 = vector.broadcast %jit3A_86 : f32 to vector<1x2000xf32>
    %max3A_89 = arith.maximumf %max3A_88, %sub3A_85 : vector<1x2000xf32>
    %min3A_90 = vector.broadcast %jit3A_87 : f32 to vector<1x2000xf32>
    %min3A_91 = arith.minimumf %min3A_90, %max3A_89 : vector<1x2000xf32>
    %sub3A_92 = arith.subf %min3A_78, %min3A_55 : vector<1x2000xf32>
    %add3A_93 = arith.constant 1.000000e+00 : f32
    %add3A_94 = vector.broadcast %add3A_93 : f32 to vector<1x2000xf32>
    %add3A_95 = arith.addf %sub3A_92, %add3A_94 : vector<1x2000xf32>
    %sub3A_96 = arith.subf %min3A_91, %min3A_65 : vector<1x2000xf32>
    %add3A_97 = arith.constant 1.000000e+00 : f32
    %add3A_98 = vector.broadcast %add3A_97 : f32 to vector<1x2000xf32>
    %add3A_99 = arith.addf %sub3A_96, %add3A_98 : vector<1x2000xf32>
    %mul3A_100 = arith.mulf %add3A_95, %add3A_99 : vector<1x2000xf32>
    %get3A_101 = arith.constant 0 : index
    %get3A_102 = arith.constant 0 : index
    %get3A_103 = vector.load %arg0[%get3A_101, %get3A_102] : memref<1x2000xf32, #tpu.memory_space<vmem>>, vector<1x2000xf32>
    %logistic3A = arith.negf %get3A_103 : vector<1x2000xf32>
    %logistic3A_104 = math.exp %logistic3A : vector<1x2000xf32>
    %logistic3A_105 = arith.constant 1.000000e+00 : f32
    %logistic3A_106 = vector.broadcast %logistic3A_105 : f32 to vector<1x2000xf32>
    %logistic3A_107 = arith.addf %logistic3A_106, %logistic3A_104 : vector<1x2000xf32>
    %logistic3A_108 = arith.divf %logistic3A_106, %logistic3A_107 : vector<1x2000xf32>
    %get3A_109 = arith.constant 0 : index
    %get3A_110 = arith.constant 0 : index
    %get3A_111 = vector.load %arg3[%get3A_109, %get3A_110] : memref<2000x4xf32, #tpu.memory_space<vmem>>, vector<2000x1xf32>
    %get3A_112 = arith.constant 0 : index
    %get3A_113 = arith.constant 1 : index
    %get3A_114 = vector.load %arg3[%get3A_112, %get3A_113] : memref<2000x4xf32, #tpu.memory_space<vmem>>, vector<2000x1xf32>
    %get3A_115 = arith.constant 0 : index
    %get3A_116 = arith.constant 2 : index
    %get3A_117 = vector.load %arg3[%get3A_115, %get3A_116] : memref<2000x4xf32, #tpu.memory_space<vmem>>, vector<2000x1xf32>
    %get3A_118 = arith.constant 0 : index
    %get3A_119 = arith.constant 3 : index
    %get3A_120 = vector.load %arg3[%get3A_118, %get3A_119] : memref<2000x4xf32, #tpu.memory_space<vmem>>, vector<2000x1xf32>
    %get3A_121 = arith.constant 0 : index
    %get3A_122 = arith.constant 0 : index
    %get3A_123 = vector.load %arg4[%get3A_121, %get3A_122] : memref<2000x4xf32, #tpu.memory_space<vmem>>, vector<2000x1xf32>
    %get3A_124 = arith.constant 0 : index
    %get3A_125 = arith.constant 1 : index
    %get3A_126 = vector.load %arg4[%get3A_124, %get3A_125] : memref<2000x4xf32, #tpu.memory_space<vmem>>, vector<2000x1xf32>
    %get3A_127 = arith.constant 0 : index
    %get3A_128 = arith.constant 2 : index
    %get3A_129 = vector.load %arg4[%get3A_127, %get3A_128] : memref<2000x4xf32, #tpu.memory_space<vmem>>, vector<2000x1xf32>
    %get3A_130 = arith.constant 0 : index
    %get3A_131 = arith.constant 3 : index
    %get3A_132 = vector.load %arg4[%get3A_130, %get3A_131] : memref<2000x4xf32, #tpu.memory_space<vmem>>, vector<2000x1xf32>
    %min3A_133 = arith.constant 4.13516665 : f32
    %min3A_134 = vector.broadcast %min3A_133 : f32 to vector<2000x1xf32>
    %min3A_135 = arith.minimumf %get3A_117, %min3A_134 : vector<2000x1xf32>
    %min3A_136 = arith.constant 4.13516665 : f32
    %min3A_137 = vector.broadcast %min3A_136 : f32 to vector<2000x1xf32>
    %min3A_138 = arith.minimumf %get3A_120, %min3A_137 : vector<2000x1xf32>
    %sub3A_139 = arith.subf %get3A_129, %get3A_123 : vector<2000x1xf32>
    %add3A_140 = arith.constant 1.000000e+00 : f32
    %add3A_141 = vector.broadcast %add3A_140 : f32 to vector<2000x1xf32>
    %add3A_142 = arith.addf %sub3A_139, %add3A_141 : vector<2000x1xf32>
    %sub3A_143 = arith.subf %get3A_132, %get3A_126 : vector<2000x1xf32>
    %add3A_144 = arith.constant 1.000000e+00 : f32
    %add3A_145 = vector.broadcast %add3A_144 : f32 to vector<2000x1xf32>
    %add3A_146 = arith.addf %sub3A_143, %add3A_145 : vector<2000x1xf32>
    %mul3A_147 = arith.constant 5.000000e-01 : f32
    %mul3A_148 = vector.broadcast %mul3A_147 : f32 to vector<2000x1xf32>
    %mul3A_149 = arith.mulf %mul3A_148, %add3A_142 : vector<2000x1xf32>
    %add3A_150 = arith.addf %get3A_123, %mul3A_149 : vector<2000x1xf32>
    %mul3A_151 = arith.constant 5.000000e-01 : f32
    %mul3A_152 = vector.broadcast %mul3A_151 : f32 to vector<2000x1xf32>
    %mul3A_153 = arith.mulf %mul3A_152, %add3A_146 : vector<2000x1xf32>
    %add3A_154 = arith.addf %get3A_126, %mul3A_153 : vector<2000x1xf32>
    %mul3A_155 = arith.mulf %get3A_111, %add3A_142 : vector<2000x1xf32>
    %add3A_156 = arith.addf %mul3A_155, %add3A_150 : vector<2000x1xf32>
    %mul3A_157 = arith.mulf %get3A_114, %add3A_146 : vector<2000x1xf32>
    %add3A_158 = arith.addf %mul3A_157, %add3A_154 : vector<2000x1xf32>
    %exp3A_159 = math.exp %min3A_135 : vector<2000x1xf32>
    %mul3A_160 = arith.mulf %exp3A_159, %add3A_142 : vector<2000x1xf32>
    %exp3A_161 = math.exp %min3A_138 : vector<2000x1xf32>
    %mul3A_162 = arith.mulf %exp3A_161, %add3A_146 : vector<2000x1xf32>
    %mul3A_163 = arith.constant 5.000000e-01 : f32
    %mul3A_164 = vector.broadcast %mul3A_163 : f32 to vector<2000x1xf32>
    %mul3A_165 = arith.mulf %mul3A_164, %mul3A_160 : vector<2000x1xf32>
    %sub3A_166 = arith.subf %add3A_156, %mul3A_165 : vector<2000x1xf32>
    %jit3A_167 = arith.constant 0.000000e+00 : f32
    %jit3A_168 = arith.constant 7.990000e+02 : f32
    %max3A_169 = vector.broadcast %jit3A_167 : f32 to vector<2000x1xf32>
    %max3A_170 = arith.maximumf %max3A_169, %sub3A_166 : vector<2000x1xf32>
    %min3A_171 = vector.broadcast %jit3A_168 : f32 to vector<2000x1xf32>
    %min3A_172 = arith.minimumf %min3A_171, %max3A_170 : vector<2000x1xf32>
    %mul3A_173 = arith.constant 5.000000e-01 : f32
    %mul3A_174 = vector.broadcast %mul3A_173 : f32 to vector<2000x1xf32>
    %mul3A_175 = arith.mulf %mul3A_174, %mul3A_162 : vector<2000x1xf32>
    %sub3A_176 = arith.subf %add3A_158, %mul3A_175 : vector<2000x1xf32>
    %jit3A_177 = arith.constant 0.000000e+00 : f32
    %jit3A_178 = arith.constant 7.990000e+02 : f32
    %max3A_179 = vector.broadcast %jit3A_177 : f32 to vector<2000x1xf32>
    %max3A_180 = arith.maximumf %max3A_179, %sub3A_176 : vector<2000x1xf32>
    %min3A_181 = vector.broadcast %jit3A_178 : f32 to vector<2000x1xf32>
    %min3A_182 = arith.minimumf %min3A_181, %max3A_180 : vector<2000x1xf32>
    %mul3A_183 = arith.constant 5.000000e-01 : f32
    %mul3A_184 = vector.broadcast %mul3A_183 : f32 to vector<2000x1xf32>
    %mul3A_185 = arith.mulf %mul3A_184, %mul3A_160 : vector<2000x1xf32>
    %add3A_186 = arith.addf %add3A_156, %mul3A_185 : vector<2000x1xf32>
    %sub3A_187 = arith.constant 1.000000e+00 : f32
    %sub3A_188 = vector.broadcast %sub3A_187 : f32 to vector<2000x1xf32>
    %sub3A_189 = arith.subf %add3A_186, %sub3A_188 : vector<2000x1xf32>
    %jit3A_190 = arith.constant 0.000000e+00 : f32
    %jit3A_191 = arith.constant 7.990000e+02 : f32
    %max3A_192 = vector.broadcast %jit3A_190 : f32 to vector<2000x1xf32>
    %max3A_193 = arith.maximumf %max3A_192, %sub3A_189 : vector<2000x1xf32>
    %min3A_194 = vector.broadcast %jit3A_191 : f32 to vector<2000x1xf32>
    %min3A_195 = arith.minimumf %min3A_194, %max3A_193 : vector<2000x1xf32>
    %mul3A_196 = arith.constant 5.000000e-01 : f32
    %mul3A_197 = vector.broadcast %mul3A_196 : f32 to vector<2000x1xf32>
    %mul3A_198 = arith.mulf %mul3A_197, %mul3A_162 : vector<2000x1xf32>
    %add3A_199 = arith.addf %add3A_158, %mul3A_198 : vector<2000x1xf32>
    %sub3A_200 = arith.constant 1.000000e+00 : f32
    %sub3A_201 = vector.broadcast %sub3A_200 : f32 to vector<2000x1xf32>
    %sub3A_202 = arith.subf %add3A_199, %sub3A_201 : vector<2000x1xf32>
    %jit3A_203 = arith.constant 0.000000e+00 : f32
    %jit3A_204 = arith.constant 7.990000e+02 : f32
    %max3A_205 = vector.broadcast %jit3A_203 : f32 to vector<2000x1xf32>
    %max3A_206 = arith.maximumf %max3A_205, %sub3A_202 : vector<2000x1xf32>
    %min3A_207 = vector.broadcast %jit3A_204 : f32 to vector<2000x1xf32>
    %min3A_208 = arith.minimumf %min3A_207, %max3A_206 : vector<2000x1xf32>
    %swap3A = arith.constant 0 : index
    %swap3A_209 = arith.constant 0 : index
    %swap3A_210 = vector.load %arg6[%swap3A, %swap3A_209] : memref<2000x4xf32, #tpu.memory_space<vmem>>, vector<2000x1xf32>
    tpu.vector_store %arg6[%swap3A, %swap3A_209], %min3A_172 {strides = array<i32>} : memref<2000x4xf32, #tpu.memory_space<vmem>>, vector<2000x1xf32>,
    %swap3A_211 = arith.constant 0 : index
    %swap3A_212 = arith.constant 1 : index
    %swap3A_213 = vector.load %arg6[%swap3A_211, %swap3A_212] : memref<2000x4xf32, #tpu.memory_space<vmem>>, vector<2000x1xf32>
    tpu.vector_store %arg6[%swap3A_211, %swap3A_212], %min3A_182 {strides = array<i32>} : memref<2000x4xf32, #tpu.memory_space<vmem>>, vector<2000x1xf32>,
    %swap3A_214 = arith.constant 0 : index
    %swap3A_215 = arith.constant 2 : index
    %swap3A_216 = vector.load %arg6[%swap3A_214, %swap3A_215] : memref<2000x4xf32, #tpu.memory_space<vmem>>, vector<2000x1xf32>
    tpu.vector_store %arg6[%swap3A_214, %swap3A_215], %min3A_195 {strides = array<i32>} : memref<2000x4xf32, #tpu.memory_space<vmem>>, vector<2000x1xf32>,
    %swap3A_217 = arith.constant 0 : index
    %swap3A_218 = arith.constant 3 : index
    %swap3A_219 = vector.load %arg6[%swap3A_217, %swap3A_218] : memref<2000x4xf32, #tpu.memory_space<vmem>>, vector<2000x1xf32>
    tpu.vector_store %arg6[%swap3A_217, %swap3A_218], %min3A_208 {strides = array<i32>} : memref<2000x4xf32, #tpu.memory_space<vmem>>, vector<2000x1xf32>,
    %iota3A = tpu.iota {dimensions = array<i32: 1>} : vector<1x2000xi32>
    %get3A_220 = arith.constant 0 : index
    %get3A_221 = arith.constant 0 : index
    %get3A_222 = vector.load %arg6[%get3A_220, %get3A_221] : memref<2000x4xf32, #tpu.memory_space<vmem>>, vector<250x1xf32>
    %get3A_223 = arith.constant 0 : index
    %get3A_224 = arith.constant 1 : index
    %get3A_225 = vector.load %arg6[%get3A_223, %get3A_224] : memref<2000x4xf32, #tpu.memory_space<vmem>>, vector<250x1xf32>
    %get3A_226 = arith.constant 0 : index
    %get3A_227 = arith.constant 2 : index
    %get3A_228 = vector.load %arg6[%get3A_226, %get3A_227] : memref<2000x4xf32, #tpu.memory_space<vmem>>, vector<250x1xf32>
    %get3A_229 = arith.constant 0 : index
    %get3A_230 = arith.constant 3 : index
    %get3A_231 = vector.load %arg6[%get3A_229, %get3A_230] : memref<2000x4xf32, #tpu.memory_space<vmem>>, vector<250x1xf32>
    %min3A_232 = vector.broadcast %get3A_228 : vector<250x1xf32> to vector<250x2000xf32>
    %min3A_233 = vector.broadcast %min3A_78 : vector<1x2000xf32> to vector<250x2000xf32>
    %min3A_234 = arith.minimumf %min3A_232, %min3A_233 : vector<250x2000xf32>
    %max3A_235 = vector.broadcast %get3A_222 : vector<250x1xf32> to vector<250x2000xf32>
    %max3A_236 = vector.broadcast %min3A_55 : vector<1x2000xf32> to vector<250x2000xf32>
    %max3A_237 = arith.maximumf %max3A_235, %max3A_236 : vector<250x2000xf32>
    %sub3A_238 = arith.subf %min3A_234, %max3A_237 : vector<250x2000xf32>
    %add3A_239 = arith.constant 1.000000e+00 : f32
    %add3A_240 = vector.broadcast %add3A_239 : f32 to vector<250x2000xf32>
    %add3A_241 = arith.addf %sub3A_238, %add3A_240 : vector<250x2000xf32>
    %max3A_242 = arith.constant 0.000000e+00 : f32
    %max3A_243 = vector.broadcast %max3A_242 : f32 to vector<250x2000xf32>
    %max3A_244 = arith.maximumf %add3A_241, %max3A_243 : vector<250x2000xf32>
    %min3A_245 = vector.broadcast %get3A_231 : vector<250x1xf32> to vector<250x2000xf32>
    %min3A_246 = vector.broadcast %min3A_91 : vector<1x2000xf32> to vector<250x2000xf32>
    %min3A_247 = arith.minimumf %min3A_245, %min3A_246 : vector<250x2000xf32>
    %max3A_248 = vector.broadcast %get3A_225 : vector<250x1xf32> to vector<250x2000xf32>
    %max3A_249 = vector.broadcast %min3A_65 : vector<1x2000xf32> to vector<250x2000xf32>
    %max3A_250 = arith.maximumf %max3A_248, %max3A_249 : vector<250x2000xf32>
    %sub3A_251 = arith.subf %min3A_247, %max3A_250 : vector<250x2000xf32>
    %add3A_252 = arith.constant 1.000000e+00 : f32
    %add3A_253 = vector.broadcast %add3A_252 : f32 to vector<250x2000xf32>
    %add3A_254 = arith.addf %sub3A_251, %add3A_253 : vector<250x2000xf32>
    %max3A_255 = arith.constant 0.000000e+00 : f32
    %max3A_256 = vector.broadcast %max3A_255 : f32 to vector<250x2000xf32>
    %max3A_257 = arith.maximumf %add3A_254, %max3A_256 : vector<250x2000xf32>
    %mul3A_258 = arith.mulf %max3A_244, %max3A_257 : vector<250x2000xf32>
    %sub3A_259 = arith.subf %get3A_228, %get3A_222 : vector<250x1xf32>
    %add3A_260 = arith.constant 1.000000e+00 : f32
    %add3A_261 = vector.broadcast %add3A_260 : f32 to vector<250x1xf32>
    %add3A_262 = arith.addf %sub3A_259, %add3A_261 : vector<250x1xf32>
    %sub3A_263 = arith.subf %get3A_231, %get3A_225 : vector<250x1xf32>
    %add3A_264 = arith.constant 1.000000e+00 : f32
    %add3A_265 = vector.broadcast %add3A_264 : f32 to vector<250x1xf32>
    %add3A_266 = arith.addf %sub3A_263, %add3A_265 : vector<250x1xf32>
    %mul3A_267 = arith.mulf %add3A_262, %add3A_266 : vector<250x1xf32>
    %add3A_268 = vector.broadcast %mul3A_267 : vector<250x1xf32> to vector<250x2000xf32>
    %add3A_269 = vector.broadcast %mul3A_100 : vector<1x2000xf32> to vector<250x2000xf32>
    %add3A_270 = arith.addf %add3A_268, %add3A_269 : vector<250x2000xf32>
    %sub3A_271 = arith.subf %add3A_270, %mul3A_258 : vector<250x2000xf32>
    %div3A = arith.divf %mul3A_258, %sub3A_271 : vector<250x2000xf32>
    %iota3A_272 = tpu.iota {dimensions = array<i32: 0>} : vector<250x2000xi32>
    %add3A_273 = arith.constant 0 : i32
    %add3A_274 = vector.broadcast %add3A_273 : i32 to vector<250x2000xi32>
    %add3A_275 = arith.addi %iota3A_272, %add3A_274 : vector<250x2000xi32>
    %gt3A = arith.constant 0.699999988 : f32
    %gt3A_276 = vector.broadcast %gt3A : f32 to vector<250x2000xf32>
    %gt3A_277 = arith.cmpf ogt, %div3A, %gt3A_276 : vector<250x2000xf32>
    %lt3A = vector.broadcast %iota3A : vector<1x2000xi32> to vector<250x2000xi32>
    %lt3A_278 = arith.cmpi slt, %add3A_275, %lt3A : vector<250x2000xi32>
    %and3A = arith.andi %gt3A_277, %lt3A_278 : vector<250x2000xi1>
    %convert_element_type3A = arith.extui %and3A : vector<250x2000xi1> to vector<250x2000xi32>
    %convert_element_type3A_279 = arith.sitofp %convert_element_type3A : vector<250x2000xi32> to vector<250x2000xf32>
    %convert_element_type3A_280 = arith.truncf %convert_element_type3A_279 : vector<250x2000xf32> to vector<250x2000xbf16>
    %swap3A_281 = arith.constant 0 : index
    %swap3A_282 = arith.constant 0 : index
    %swap3A_283 = vector.load %arg7[%swap3A_281, %swap3A_282] : memref<2000x2000xbf16, #tpu.memory_space<vmem>>, vector<250x2000xbf16>
    tpu.vector_store %arg7[%swap3A_281, %swap3A_282], %convert_element_type3A_280 {strides = array<i32>} : memref<2000x2000xbf16, #tpu.memory_space<vmem>>, vector<250x2000xbf16>,
    %get3A_284 = arith.constant 250 : index
    %get3A_285 = arith.constant 0 : index
    %get3A_286 = vector.load %arg6[%get3A_284, %get3A_285] : memref<2000x4xf32, #tpu.memory_space<vmem>>, vector<250x1xf32>
    %get3A_287 = arith.constant 250 : index
    %get3A_288 = arith.constant 1 : index
    %get3A_289 = vector.load %arg6[%get3A_287, %get3A_288] : memref<2000x4xf32, #tpu.memory_space<vmem>>, vector<250x1xf32>
    %get3A_290 = arith.constant 250 : index
    %get3A_291 = arith.constant 2 : index
    %get3A_292 = vector.load %arg6[%get3A_290, %get3A_291] : memref<2000x4xf32, #tpu.memory_space<vmem>>, vector<250x1xf32>
    %get3A_293 = arith.constant 250 : index
    %get3A_294 = arith.constant 3 : index
    %get3A_295 = vector.load %arg6[%get3A_293, %get3A_294] : memref<2000x4xf32, #tpu.memory_space<vmem>>, vector<250x1xf32>
    %min3A_296 = vector.broadcast %get3A_292 : vector<250x1xf32> to vector<250x2000xf32>
    %min3A_297 = vector.broadcast %min3A_78 : vector<1x2000xf32> to vector<250x2000xf32>
    %min3A_298 = arith.minimumf %min3A_296, %min3A_297 : vector<250x2000xf32>
    %max3A_299 = vector.broadcast %get3A_286 : vector<250x1xf32> to vector<250x2000xf32>
    %max3A_300 = vector.broadcast %min3A_55 : vector<1x2000xf32> to vector<250x2000xf32>
    %max3A_301 = arith.maximumf %max3A_299, %max3A_300 : vector<250x2000xf32>
    %sub3A_302 = arith.subf %min3A_298, %max3A_301 : vector<250x2000xf32>
    %add3A_303 = arith.constant 1.000000e+00 : f32
    %add3A_304 = vector.broadcast %add3A_303 : f32 to vector<250x2000xf32>
    %add3A_305 = arith.addf %sub3A_302, %add3A_304 : vector<250x2000xf32>
    %max3A_306 = arith.constant 0.000000e+00 : f32
    %max3A_307 = vector.broadcast %max3A_306 : f32 to vector<250x2000xf32>
    %max3A_308 = arith.maximumf %add3A_305, %max3A_307 : vector<250x2000xf32>
    %min3A_309 = vector.broadcast %get3A_295 : vector<250x1xf32> to vector<250x2000xf32>
    %min3A_310 = vector.broadcast %min3A_91 : vector<1x2000xf32> to vector<250x2000xf32>
    %min3A_311 = arith.minimumf %min3A_309, %min3A_310 : vector<250x2000xf32>
    %max3A_312 = vector.broadcast %get3A_289 : vector<250x1xf32> to vector<250x2000xf32>
    %max3A_313 = vector.broadcast %min3A_65 : vector<1x2000xf32> to vector<250x2000xf32>
    %max3A_314 = arith.maximumf %max3A_312, %max3A_313 : vector<250x2000xf32>
    %sub3A_315 = arith.subf %min3A_311, %max3A_314 : vector<250x2000xf32>
    %add3A_316 = arith.constant 1.000000e+00 : f32
    %add3A_317 = vector.broadcast %add3A_316 : f32 to vector<250x2000xf32>
    %add3A_318 = arith.addf %sub3A_315, %add3A_317 : vector<250x2000xf32>
    %max3A_319 = arith.constant 0.000000e+00 : f32
    %max3A_320 = vector.broadcast %max3A_319 : f32 to vector<250x2000xf32>
    %max3A_321 = arith.maximumf %add3A_318, %max3A_320 : vector<250x2000xf32>
    %mul3A_322 = arith.mulf %max3A_308, %max3A_321 : vector<250x2000xf32>
    %sub3A_323 = arith.subf %get3A_292, %get3A_286 : vector<250x1xf32>
    %add3A_324 = arith.constant 1.000000e+00 : f32
    %add3A_325 = vector.broadcast %add3A_324 : f32 to vector<250x1xf32>
    %add3A_326 = arith.addf %sub3A_323, %add3A_325 : vector<250x1xf32>
    %sub3A_327 = arith.subf %get3A_295, %get3A_289 : vector<250x1xf32>
    %add3A_328 = arith.constant 1.000000e+00 : f32
    %add3A_329 = vector.broadcast %add3A_328 : f32 to vector<250x1xf32>
    %add3A_330 = arith.addf %sub3A_327, %add3A_329 : vector<250x1xf32>
    %mul3A_331 = arith.mulf %add3A_326, %add3A_330 : vector<250x1xf32>
    %add3A_332 = vector.broadcast %mul3A_331 : vector<250x1xf32> to vector<250x2000xf32>
    %add3A_333 = vector.broadcast %mul3A_100 : vector<1x2000xf32> to vector<250x2000xf32>
    %add3A_334 = arith.addf %add3A_332, %add3A_333 : vector<250x2000xf32>
    %sub3A_335 = arith.subf %add3A_334, %mul3A_322 : vector<250x2000xf32>
    %div3A_336 = arith.divf %mul3A_322, %sub3A_335 : vector<250x2000xf32>
    %iota3A_337 = tpu.iota {dimensions = array<i32: 0>} : vector<250x2000xi32>
    %add3A_338 = arith.constant 250 : i32
    %add3A_339 = vector.broadcast %add3A_338 : i32 to vector<250x2000xi32>
    %add3A_340 = arith.addi %iota3A_337, %add3A_339 : vector<250x2000xi32>
    %gt3A_341 = arith.constant 0.699999988 : f32
    %gt3A_342 = vector.broadcast %gt3A_341 : f32 to vector<250x2000xf32>
    %gt3A_343 = arith.cmpf ogt, %div3A_336, %gt3A_342 : vector<250x2000xf32>
    %lt3A_344 = vector.broadcast %iota3A : vector<1x2000xi32> to vector<250x2000xi32>
    %lt3A_345 = arith.cmpi slt, %add3A_340, %lt3A_344 : vector<250x2000xi32>
    %and3A_346 = arith.andi %gt3A_343, %lt3A_345 : vector<250x2000xi1>
    %convert_element_type3A_347 = arith.extui %and3A_346 : vector<250x2000xi1> to vector<250x2000xi32>
    %convert_element_type3A_348 = arith.sitofp %convert_element_type3A_347 : vector<250x2000xi32> to vector<250x2000xf32>
    %convert_element_type3A_349 = arith.truncf %convert_element_type3A_348 : vector<250x2000xf32> to vector<250x2000xbf16>
    %swap3A_350 = arith.constant 250 : index
    %swap3A_351 = arith.constant 0 : index
    %swap3A_352 = vector.load %arg7[%swap3A_350, %swap3A_351] : memref<2000x2000xbf16, #tpu.memory_space<vmem>>, vector<250x2000xbf16>
    tpu.vector_store %arg7[%swap3A_350, %swap3A_351], %convert_element_type3A_349 {strides = array<i32>} : memref<2000x2000xbf16, #tpu.memory_space<vmem>>, vector<250x2000xbf16>,
    %get3A_353 = arith.constant 500 : index
    %get3A_354 = arith.constant 0 : index
    %get3A_355 = vector.load %arg6[%get3A_353, %get3A_354] : memref<2000x4xf32, #tpu.memory_space<vmem>>, vector<250x1xf32>
    %get3A_356 = arith.constant 500 : index
    %get3A_357 = arith.constant 1 : index
    %get3A_358 = vector.load %arg6[%get3A_356, %get3A_357] : memref<2000x4xf32, #tpu.memory_space<vmem>>, vector<250x1xf32>
    %get3A_359 = arith.constant 500 : index
    %get3A_360 = arith.constant 2 : index
    %get3A_361 = vector.load %arg6[%get3A_359, %get3A_360] : memref<2000x4xf32, #tpu.memory_space<vmem>>, vector<250x1xf32>
    %get3A_362 = arith.constant 500 : index
    %get3A_363 = arith.constant 3 : index
    %get3A_364 = vector.load %arg6[%get3A_362, %get3A_363] : memref<2000x4xf32, #tpu.memory_space<vmem>>, vector<250x1xf32>
    %min3A_365 = vector.broadcast %get3A_361 : vector<250x1xf32> to vector<250x2000xf32>
    %min3A_366 = vector.broadcast %min3A_78 : vector<1x2000xf32> to vector<250x2000xf32>
    %min3A_367 = arith.minimumf %min3A_365, %min3A_366 : vector<250x2000xf32>
    %max3A_368 = vector.broadcast %get3A_355 : vector<250x1xf32> to vector<250x2000xf32>
    %max3A_369 = vector.broadcast %min3A_55 : vector<1x2000xf32> to vector<250x2000xf32>
    %max3A_370 = arith.maximumf %max3A_368, %max3A_369 : vector<250x2000xf32>
    %sub3A_371 = arith.subf %min3A_367, %max3A_370 : vector<250x2000xf32>
    %add3A_372 = arith.constant 1.000000e+00 : f32
    %add3A_373 = vector.broadcast %add3A_372 : f32 to vector<250x2000xf32>
    %add3A_374 = arith.addf %sub3A_371, %add3A_373 : vector<250x2000xf32>
    %max3A_375 = arith.constant 0.000000e+00 : f32
    %max3A_376 = vector.broadcast %max3A_375 : f32 to vector<250x2000xf32>
    %max3A_377 = arith.maximumf %add3A_374, %max3A_376 : vector<250x2000xf32>
    %min3A_378 = vector.broadcast %get3A_364 : vector<250x1xf32> to vector<250x2000xf32>
    %min3A_379 = vector.broadcast %min3A_91 : vector<1x2000xf32> to vector<250x2000xf32>
    %min3A_380 = arith.minimumf %min3A_378, %min3A_379 : vector<250x2000xf32>
    %max3A_381 = vector.broadcast %get3A_358 : vector<250x1xf32> to vector<250x2000xf32>
    %max3A_382 = vector.broadcast %min3A_65 : vector<1x2000xf32> to vector<250x2000xf32>
    %max3A_383 = arith.maximumf %max3A_381, %max3A_382 : vector<250x2000xf32>
    %sub3A_384 = arith.subf %min3A_380, %max3A_383 : vector<250x2000xf32>
    %add3A_385 = arith.constant 1.000000e+00 : f32
    %add3A_386 = vector.broadcast %add3A_385 : f32 to vector<250x2000xf32>
    %add3A_387 = arith.addf %sub3A_384, %add3A_386 : vector<250x2000xf32>
    %max3A_388 = arith.constant 0.000000e+00 : f32
    %max3A_389 = vector.broadcast %max3A_388 : f32 to vector<250x2000xf32>
    %max3A_390 = arith.maximumf %add3A_387, %max3A_389 : vector<250x2000xf32>
    %mul3A_391 = arith.mulf %max3A_377, %max3A_390 : vector<250x2000xf32>
    %sub3A_392 = arith.subf %get3A_361, %get3A_355 : vector<250x1xf32>
    %add3A_393 = arith.constant 1.000000e+00 : f32
    %add3A_394 = vector.broadcast %add3A_393 : f32 to vector<250x1xf32>
    %add3A_395 = arith.addf %sub3A_392, %add3A_394 : vector<250x1xf32>
    %sub3A_396 = arith.subf %get3A_364, %get3A_358 : vector<250x1xf32>
    %add3A_397 = arith.constant 1.000000e+00 : f32
    %add3A_398 = vector.broadcast %add3A_397 : f32 to vector<250x1xf32>
    %add3A_399 = arith.addf %sub3A_396, %add3A_398 : vector<250x1xf32>
    %mul3A_400 = arith.mulf %add3A_395, %add3A_399 : vector<250x1xf32>
    %add3A_401 = vector.broadcast %mul3A_400 : vector<250x1xf32> to vector<250x2000xf32>
    %add3A_402 = vector.broadcast %mul3A_100 : vector<1x2000xf32> to vector<250x2000xf32>
    %add3A_403 = arith.addf %add3A_401, %add3A_402 : vector<250x2000xf32>
    %sub3A_404 = arith.subf %add3A_403, %mul3A_391 : vector<250x2000xf32>
    %div3A_405 = arith.divf %mul3A_391, %sub3A_404 : vector<250x2000xf32>
    %iota3A_406 = tpu.iota {dimensions = array<i32: 0>} : vector<250x2000xi32>
    %add3A_407 = arith.constant 500 : i32
    %add3A_408 = vector.broadcast %add3A_407 : i32 to vector<250x2000xi32>
    %add3A_409 = arith.addi %iota3A_406, %add3A_408 : vector<250x2000xi32>
    %gt3A_410 = arith.constant 0.699999988 : f32
    %gt3A_411 = vector.broadcast %gt3A_410 : f32 to vector<250x2000xf32>
    %gt3A_412 = arith.cmpf ogt, %div3A_405, %gt3A_411 : vector<250x2000xf32>
    %lt3A_413 = vector.broadcast %iota3A : vector<1x2000xi32> to vector<250x2000xi32>
    %lt3A_414 = arith.cmpi slt, %add3A_409, %lt3A_413 : vector<250x2000xi32>
    %and3A_415 = arith.andi %gt3A_412, %lt3A_414 : vector<250x2000xi1>
    %convert_element_type3A_416 = arith.extui %and3A_415 : vector<250x2000xi1> to vector<250x2000xi32>
    %convert_element_type3A_417 = arith.sitofp %convert_element_type3A_416 : vector<250x2000xi32> to vector<250x2000xf32>
    %convert_element_type3A_418 = arith.truncf %convert_element_type3A_417 : vector<250x2000xf32> to vector<250x2000xbf16>
    %swap3A_419 = arith.constant 500 : index
    %swap3A_420 = arith.constant 0 : index
    %swap3A_421 = vector.load %arg7[%swap3A_419, %swap3A_420] : memref<2000x2000xbf16, #tpu.memory_space<vmem>>, vector<250x2000xbf16>
    tpu.vector_store %arg7[%swap3A_419, %swap3A_420], %convert_element_type3A_418 {strides = array<i32>} : memref<2000x2000xbf16, #tpu.memory_space<vmem>>, vector<250x2000xbf16>,
    %get3A_422 = arith.constant 750 : index
    %get3A_423 = arith.constant 0 : index
    %get3A_424 = vector.load %arg6[%get3A_422, %get3A_423] : memref<2000x4xf32, #tpu.memory_space<vmem>>, vector<250x1xf32>
    %get3A_425 = arith.constant 750 : index
    %get3A_426 = arith.constant 1 : index
    %get3A_427 = vector.load %arg6[%get3A_425, %get3A_426] : memref<2000x4xf32, #tpu.memory_space<vmem>>, vector<250x1xf32>
    %get3A_428 = arith.constant 750 : index
    %get3A_429 = arith.constant 2 : index
    %get3A_430 = vector.load %arg6[%get3A_428, %get3A_429] : memref<2000x4xf32, #tpu.memory_space<vmem>>, vector<250x1xf32>
    %get3A_431 = arith.constant 750 : index
    %get3A_432 = arith.constant 3 : index
    %get3A_433 = vector.load %arg6[%get3A_431, %get3A_432] : memref<2000x4xf32, #tpu.memory_space<vmem>>, vector<250x1xf32>
    %min3A_434 = vector.broadcast %get3A_430 : vector<250x1xf32> to vector<250x2000xf32>
    %min3A_435 = vector.broadcast %min3A_78 : vector<1x2000xf32> to vector<250x2000xf32>
    %min3A_436 = arith.minimumf %min3A_434, %min3A_435 : vector<250x2000xf32>
    %max3A_437 = vector.broadcast %get3A_424 : vector<250x1xf32> to vector<250x2000xf32>
    %max3A_438 = vector.broadcast %min3A_55 : vector<1x2000xf32> to vector<250x2000xf32>
    %max3A_439 = arith.maximumf %max3A_437, %max3A_438 : vector<250x2000xf32>
    %sub3A_440 = arith.subf %min3A_436, %max3A_439 : vector<250x2000xf32>
    %add3A_441 = arith.constant 1.000000e+00 : f32
    %add3A_442 = vector.broadcast %add3A_441 : f32 to vector<250x2000xf32>
    %add3A_443 = arith.addf %sub3A_440, %add3A_442 : vector<250x2000xf32>
    %max3A_444 = arith.constant 0.000000e+00 : f32
    %max3A_445 = vector.broadcast %max3A_444 : f32 to vector<250x2000xf32>
    %max3A_446 = arith.maximumf %add3A_443, %max3A_445 : vector<250x2000xf32>
    %min3A_447 = vector.broadcast %get3A_433 : vector<250x1xf32> to vector<250x2000xf32>
    %min3A_448 = vector.broadcast %min3A_91 : vector<1x2000xf32> to vector<250x2000xf32>
    %min3A_449 = arith.minimumf %min3A_447, %min3A_448 : vector<250x2000xf32>
    %max3A_450 = vector.broadcast %get3A_427 : vector<250x1xf32> to vector<250x2000xf32>
    %max3A_451 = vector.broadcast %min3A_65 : vector<1x2000xf32> to vector<250x2000xf32>
    %max3A_452 = arith.maximumf %max3A_450, %max3A_451 : vector<250x2000xf32>
    %sub3A_453 = arith.subf %min3A_449, %max3A_452 : vector<250x2000xf32>
    %add3A_454 = arith.constant 1.000000e+00 : f32
    %add3A_455 = vector.broadcast %add3A_454 : f32 to vector<250x2000xf32>
    %add3A_456 = arith.addf %sub3A_453, %add3A_455 : vector<250x2000xf32>
    %max3A_457 = arith.constant 0.000000e+00 : f32
    %max3A_458 = vector.broadcast %max3A_457 : f32 to vector<250x2000xf32>
    %max3A_459 = arith.maximumf %add3A_456, %max3A_458 : vector<250x2000xf32>
    %mul3A_460 = arith.mulf %max3A_446, %max3A_459 : vector<250x2000xf32>
    %sub3A_461 = arith.subf %get3A_430, %get3A_424 : vector<250x1xf32>
    %add3A_462 = arith.constant 1.000000e+00 : f32
    %add3A_463 = vector.broadcast %add3A_462 : f32 to vector<250x1xf32>
    %add3A_464 = arith.addf %sub3A_461, %add3A_463 : vector<250x1xf32>
    %sub3A_465 = arith.subf %get3A_433, %get3A_427 : vector<250x1xf32>
    %add3A_466 = arith.constant 1.000000e+00 : f32
    %add3A_467 = vector.broadcast %add3A_466 : f32 to vector<250x1xf32>
    %add3A_468 = arith.addf %sub3A_465, %add3A_467 : vector<250x1xf32>
    %mul3A_469 = arith.mulf %add3A_464, %add3A_468 : vector<250x1xf32>
    %add3A_470 = vector.broadcast %mul3A_469 : vector<250x1xf32> to vector<250x2000xf32>
    %add3A_471 = vector.broadcast %mul3A_100 : vector<1x2000xf32> to vector<250x2000xf32>
    %add3A_472 = arith.addf %add3A_470, %add3A_471 : vector<250x2000xf32>
    %sub3A_473 = arith.subf %add3A_472, %mul3A_460 : vector<250x2000xf32>
    %div3A_474 = arith.divf %mul3A_460, %sub3A_473 : vector<250x2000xf32>
    %iota3A_475 = tpu.iota {dimensions = array<i32: 0>} : vector<250x2000xi32>
    %add3A_476 = arith.constant 750 : i32
    %add3A_477 = vector.broadcast %add3A_476 : i32 to vector<250x2000xi32>
    %add3A_478 = arith.addi %iota3A_475, %add3A_477 : vector<250x2000xi32>
    %gt3A_479 = arith.constant 0.699999988 : f32
    %gt3A_480 = vector.broadcast %gt3A_479 : f32 to vector<250x2000xf32>
    %gt3A_481 = arith.cmpf ogt, %div3A_474, %gt3A_480 : vector<250x2000xf32>
    %lt3A_482 = vector.broadcast %iota3A : vector<1x2000xi32> to vector<250x2000xi32>
    %lt3A_483 = arith.cmpi slt, %add3A_478, %lt3A_482 : vector<250x2000xi32>
    %and3A_484 = arith.andi %gt3A_481, %lt3A_483 : vector<250x2000xi1>
    %convert_element_type3A_485 = arith.extui %and3A_484 : vector<250x2000xi1> to vector<250x2000xi32>
    %convert_element_type3A_486 = arith.sitofp %convert_element_type3A_485 : vector<250x2000xi32> to vector<250x2000xf32>
    %convert_element_type3A_487 = arith.truncf %convert_element_type3A_486 : vector<250x2000xf32> to vector<250x2000xbf16>
    %swap3A_488 = arith.constant 750 : index
    %swap3A_489 = arith.constant 0 : index
    %swap3A_490 = vector.load %arg7[%swap3A_488, %swap3A_489] : memref<2000x2000xbf16, #tpu.memory_space<vmem>>, vector<250x2000xbf16>
    tpu.vector_store %arg7[%swap3A_488, %swap3A_489], %convert_element_type3A_487 {strides = array<i32>} : memref<2000x2000xbf16, #tpu.memory_space<vmem>>, vector<250x2000xbf16>,
    %get3A_491 = arith.constant 1000 : index
    %get3A_492 = arith.constant 0 : index
    %get3A_493 = vector.load %arg6[%get3A_491, %get3A_492] : memref<2000x4xf32, #tpu.memory_space<vmem>>, vector<250x1xf32>
    %get3A_494 = arith.constant 1000 : index
    %get3A_495 = arith.constant 1 : index
    %get3A_496 = vector.load %arg6[%get3A_494, %get3A_495] : memref<2000x4xf32, #tpu.memory_space<vmem>>, vector<250x1xf32>
    %get3A_497 = arith.constant 1000 : index
    %get3A_498 = arith.constant 2 : index
    %get3A_499 = vector.load %arg6[%get3A_497, %get3A_498] : memref<2000x4xf32, #tpu.memory_space<vmem>>, vector<250x1xf32>
    %get3A_500 = arith.constant 1000 : index
    %get3A_501 = arith.constant 3 : index
    %get3A_502 = vector.load %arg6[%get3A_500, %get3A_501] : memref<2000x4xf32, #tpu.memory_space<vmem>>, vector<250x1xf32>
    %min3A_503 = vector.broadcast %get3A_499 : vector<250x1xf32> to vector<250x2000xf32>
    %min3A_504 = vector.broadcast %min3A_78 : vector<1x2000xf32> to vector<250x2000xf32>
    %min3A_505 = arith.minimumf %min3A_503, %min3A_504 : vector<250x2000xf32>
    %max3A_506 = vector.broadcast %get3A_493 : vector<250x1xf32> to vector<250x2000xf32>
    %max3A_507 = vector.broadcast %min3A_55 : vector<1x2000xf32> to vector<250x2000xf32>
    %max3A_508 = arith.maximumf %max3A_506, %max3A_507 : vector<250x2000xf32>
    %sub3A_509 = arith.subf %min3A_505, %max3A_508 : vector<250x2000xf32>
    %add3A_510 = arith.constant 1.000000e+00 : f32
    %add3A_511 = vector.broadcast %add3A_510 : f32 to vector<250x2000xf32>
    %add3A_512 = arith.addf %sub3A_509, %add3A_511 : vector<250x2000xf32>
    %max3A_513 = arith.constant 0.000000e+00 : f32
    %max3A_514 = vector.broadcast %max3A_513 : f32 to vector<250x2000xf32>
    %max3A_515 = arith.maximumf %add3A_512, %max3A_514 : vector<250x2000xf32>
    %min3A_516 = vector.broadcast %get3A_502 : vector<250x1xf32> to vector<250x2000xf32>
    %min3A_517 = vector.broadcast %min3A_91 : vector<1x2000xf32> to vector<250x2000xf32>
    %min3A_518 = arith.minimumf %min3A_516, %min3A_517 : vector<250x2000xf32>
    %max3A_519 = vector.broadcast %get3A_496 : vector<250x1xf32> to vector<250x2000xf32>
    %max3A_520 = vector.broadcast %min3A_65 : vector<1x2000xf32> to vector<250x2000xf32>
    %max3A_521 = arith.maximumf %max3A_519, %max3A_520 : vector<250x2000xf32>
    %sub3A_522 = arith.subf %min3A_518, %max3A_521 : vector<250x2000xf32>
    %add3A_523 = arith.constant 1.000000e+00 : f32
    %add3A_524 = vector.broadcast %add3A_523 : f32 to vector<250x2000xf32>
    %add3A_525 = arith.addf %sub3A_522, %add3A_524 : vector<250x2000xf32>
    %max3A_526 = arith.constant 0.000000e+00 : f32
    %max3A_527 = vector.broadcast %max3A_526 : f32 to vector<250x2000xf32>
    %max3A_528 = arith.maximumf %add3A_525, %max3A_527 : vector<250x2000xf32>
    %mul3A_529 = arith.mulf %max3A_515, %max3A_528 : vector<250x2000xf32>
    %sub3A_530 = arith.subf %get3A_499, %get3A_493 : vector<250x1xf32>
    %add3A_531 = arith.constant 1.000000e+00 : f32
    %add3A_532 = vector.broadcast %add3A_531 : f32 to vector<250x1xf32>
    %add3A_533 = arith.addf %sub3A_530, %add3A_532 : vector<250x1xf32>
    %sub3A_534 = arith.subf %get3A_502, %get3A_496 : vector<250x1xf32>
    %add3A_535 = arith.constant 1.000000e+00 : f32
    %add3A_536 = vector.broadcast %add3A_535 : f32 to vector<250x1xf32>
    %add3A_537 = arith.addf %sub3A_534, %add3A_536 : vector<250x1xf32>
    %mul3A_538 = arith.mulf %add3A_533, %add3A_537 : vector<250x1xf32>
    %add3A_539 = vector.broadcast %mul3A_538 : vector<250x1xf32> to vector<250x2000xf32>
    %add3A_540 = vector.broadcast %mul3A_100 : vector<1x2000xf32> to vector<250x2000xf32>
    %add3A_541 = arith.addf %add3A_539, %add3A_540 : vector<250x2000xf32>
    %sub3A_542 = arith.subf %add3A_541, %mul3A_529 : vector<250x2000xf32>
    %div3A_543 = arith.divf %mul3A_529, %sub3A_542 : vector<250x2000xf32>
    %iota3A_544 = tpu.iota {dimensions = array<i32: 0>} : vector<250x2000xi32>
    %add3A_545 = arith.constant 1000 : i32
    %add3A_546 = vector.broadcast %add3A_545 : i32 to vector<250x2000xi32>
    %add3A_547 = arith.addi %iota3A_544, %add3A_546 : vector<250x2000xi32>
    %gt3A_548 = arith.constant 0.699999988 : f32
    %gt3A_549 = vector.broadcast %gt3A_548 : f32 to vector<250x2000xf32>
    %gt3A_550 = arith.cmpf ogt, %div3A_543, %gt3A_549 : vector<250x2000xf32>
    %lt3A_551 = vector.broadcast %iota3A : vector<1x2000xi32> to vector<250x2000xi32>
    %lt3A_552 = arith.cmpi slt, %add3A_547, %lt3A_551 : vector<250x2000xi32>
    %and3A_553 = arith.andi %gt3A_550, %lt3A_552 : vector<250x2000xi1>
    %convert_element_type3A_554 = arith.extui %and3A_553 : vector<250x2000xi1> to vector<250x2000xi32>
    %convert_element_type3A_555 = arith.sitofp %convert_element_type3A_554 : vector<250x2000xi32> to vector<250x2000xf32>
    %convert_element_type3A_556 = arith.truncf %convert_element_type3A_555 : vector<250x2000xf32> to vector<250x2000xbf16>
    %swap3A_557 = arith.constant 1000 : index
    %swap3A_558 = arith.constant 0 : index
    %swap3A_559 = vector.load %arg7[%swap3A_557, %swap3A_558] : memref<2000x2000xbf16, #tpu.memory_space<vmem>>, vector<250x2000xbf16>
    tpu.vector_store %arg7[%swap3A_557, %swap3A_558], %convert_element_type3A_556 {strides = array<i32>} : memref<2000x2000xbf16, #tpu.memory_space<vmem>>, vector<250x2000xbf16>,
    %get3A_560 = arith.constant 1250 : index
    %get3A_561 = arith.constant 0 : index
    %get3A_562 = vector.load %arg6[%get3A_560, %get3A_561] : memref<2000x4xf32, #tpu.memory_space<vmem>>, vector<250x1xf32>
    %get3A_563 = arith.constant 1250 : index
    %get3A_564 = arith.constant 1 : index
    %get3A_565 = vector.load %arg6[%get3A_563, %get3A_564] : memref<2000x4xf32, #tpu.memory_space<vmem>>, vector<250x1xf32>
    %get3A_566 = arith.constant 1250 : index
    %get3A_567 = arith.constant 2 : index
    %get3A_568 = vector.load %arg6[%get3A_566, %get3A_567] : memref<2000x4xf32, #tpu.memory_space<vmem>>, vector<250x1xf32>
    %get3A_569 = arith.constant 1250 : index
    %get3A_570 = arith.constant 3 : index
    %get3A_571 = vector.load %arg6[%get3A_569, %get3A_570] : memref<2000x4xf32, #tpu.memory_space<vmem>>, vector<250x1xf32>
    %min3A_572 = vector.broadcast %get3A_568 : vector<250x1xf32> to vector<250x2000xf32>
    %min3A_573 = vector.broadcast %min3A_78 : vector<1x2000xf32> to vector<250x2000xf32>
    %min3A_574 = arith.minimumf %min3A_572, %min3A_573 : vector<250x2000xf32>
    %max3A_575 = vector.broadcast %get3A_562 : vector<250x1xf32> to vector<250x2000xf32>
    %max3A_576 = vector.broadcast %min3A_55 : vector<1x2000xf32> to vector<250x2000xf32>
    %max3A_577 = arith.maximumf %max3A_575, %max3A_576 : vector<250x2000xf32>
    %sub3A_578 = arith.subf %min3A_574, %max3A_577 : vector<250x2000xf32>
    %add3A_579 = arith.constant 1.000000e+00 : f32
    %add3A_580 = vector.broadcast %add3A_579 : f32 to vector<250x2000xf32>
    %add3A_581 = arith.addf %sub3A_578, %add3A_580 : vector<250x2000xf32>
    %max3A_582 = arith.constant 0.000000e+00 : f32
    %max3A_583 = vector.broadcast %max3A_582 : f32 to vector<250x2000xf32>
    %max3A_584 = arith.maximumf %add3A_581, %max3A_583 : vector<250x2000xf32>
    %min3A_585 = vector.broadcast %get3A_571 : vector<250x1xf32> to vector<250x2000xf32>
    %min3A_586 = vector.broadcast %min3A_91 : vector<1x2000xf32> to vector<250x2000xf32>
    %min3A_587 = arith.minimumf %min3A_585, %min3A_586 : vector<250x2000xf32>
    %max3A_588 = vector.broadcast %get3A_565 : vector<250x1xf32> to vector<250x2000xf32>
    %max3A_589 = vector.broadcast %min3A_65 : vector<1x2000xf32> to vector<250x2000xf32>
    %max3A_590 = arith.maximumf %max3A_588, %max3A_589 : vector<250x2000xf32>
    %sub3A_591 = arith.subf %min3A_587, %max3A_590 : vector<250x2000xf32>
    %add3A_592 = arith.constant 1.000000e+00 : f32
    %add3A_593 = vector.broadcast %add3A_592 : f32 to vector<250x2000xf32>
    %add3A_594 = arith.addf %sub3A_591, %add3A_593 : vector<250x2000xf32>
    %max3A_595 = arith.constant 0.000000e+00 : f32
    %max3A_596 = vector.broadcast %max3A_595 : f32 to vector<250x2000xf32>
    %max3A_597 = arith.maximumf %add3A_594, %max3A_596 : vector<250x2000xf32>
    %mul3A_598 = arith.mulf %max3A_584, %max3A_597 : vector<250x2000xf32>
    %sub3A_599 = arith.subf %get3A_568, %get3A_562 : vector<250x1xf32>
    %add3A_600 = arith.constant 1.000000e+00 : f32
    %add3A_601 = vector.broadcast %add3A_600 : f32 to vector<250x1xf32>
    %add3A_602 = arith.addf %sub3A_599, %add3A_601 : vector<250x1xf32>
    %sub3A_603 = arith.subf %get3A_571, %get3A_565 : vector<250x1xf32>
    %add3A_604 = arith.constant 1.000000e+00 : f32
    %add3A_605 = vector.broadcast %add3A_604 : f32 to vector<250x1xf32>
    %add3A_606 = arith.addf %sub3A_603, %add3A_605 : vector<250x1xf32>
    %mul3A_607 = arith.mulf %add3A_602, %add3A_606 : vector<250x1xf32>
    %add3A_608 = vector.broadcast %mul3A_607 : vector<250x1xf32> to vector<250x2000xf32>
    %add3A_609 = vector.broadcast %mul3A_100 : vector<1x2000xf32> to vector<250x2000xf32>
    %add3A_610 = arith.addf %add3A_608, %add3A_609 : vector<250x2000xf32>
    %sub3A_611 = arith.subf %add3A_610, %mul3A_598 : vector<250x2000xf32>
    %div3A_612 = arith.divf %mul3A_598, %sub3A_611 : vector<250x2000xf32>
    %iota3A_613 = tpu.iota {dimensions = array<i32: 0>} : vector<250x2000xi32>
    %add3A_614 = arith.constant 1250 : i32
    %add3A_615 = vector.broadcast %add3A_614 : i32 to vector<250x2000xi32>
    %add3A_616 = arith.addi %iota3A_613, %add3A_615 : vector<250x2000xi32>
    %gt3A_617 = arith.constant 0.699999988 : f32
    %gt3A_618 = vector.broadcast %gt3A_617 : f32 to vector<250x2000xf32>
    %gt3A_619 = arith.cmpf ogt, %div3A_612, %gt3A_618 : vector<250x2000xf32>
    %lt3A_620 = vector.broadcast %iota3A : vector<1x2000xi32> to vector<250x2000xi32>
    %lt3A_621 = arith.cmpi slt, %add3A_616, %lt3A_620 : vector<250x2000xi32>
    %and3A_622 = arith.andi %gt3A_619, %lt3A_621 : vector<250x2000xi1>
    %convert_element_type3A_623 = arith.extui %and3A_622 : vector<250x2000xi1> to vector<250x2000xi32>
    %convert_element_type3A_624 = arith.sitofp %convert_element_type3A_623 : vector<250x2000xi32> to vector<250x2000xf32>
    %convert_element_type3A_625 = arith.truncf %convert_element_type3A_624 : vector<250x2000xf32> to vector<250x2000xbf16>
    %swap3A_626 = arith.constant 1250 : index
    %swap3A_627 = arith.constant 0 : index
    %swap3A_628 = vector.load %arg7[%swap3A_626, %swap3A_627] : memref<2000x2000xbf16, #tpu.memory_space<vmem>>, vector<250x2000xbf16>
    tpu.vector_store %arg7[%swap3A_626, %swap3A_627], %convert_element_type3A_625 {strides = array<i32>} : memref<2000x2000xbf16, #tpu.memory_space<vmem>>, vector<250x2000xbf16>,
    %get3A_629 = arith.constant 1500 : index
    %get3A_630 = arith.constant 0 : index
    %get3A_631 = vector.load %arg6[%get3A_629, %get3A_630] : memref<2000x4xf32, #tpu.memory_space<vmem>>, vector<250x1xf32>
    %get3A_632 = arith.constant 1500 : index
    %get3A_633 = arith.constant 1 : index
    %get3A_634 = vector.load %arg6[%get3A_632, %get3A_633] : memref<2000x4xf32, #tpu.memory_space<vmem>>, vector<250x1xf32>
    %get3A_635 = arith.constant 1500 : index
    %get3A_636 = arith.constant 2 : index
    %get3A_637 = vector.load %arg6[%get3A_635, %get3A_636] : memref<2000x4xf32, #tpu.memory_space<vmem>>, vector<250x1xf32>
    %get3A_638 = arith.constant 1500 : index
    %get3A_639 = arith.constant 3 : index
    %get3A_640 = vector.load %arg6[%get3A_638, %get3A_639] : memref<2000x4xf32, #tpu.memory_space<vmem>>, vector<250x1xf32>
    %min3A_641 = vector.broadcast %get3A_637 : vector<250x1xf32> to vector<250x2000xf32>
    %min3A_642 = vector.broadcast %min3A_78 : vector<1x2000xf32> to vector<250x2000xf32>
    %min3A_643 = arith.minimumf %min3A_641, %min3A_642 : vector<250x2000xf32>
    %max3A_644 = vector.broadcast %get3A_631 : vector<250x1xf32> to vector<250x2000xf32>
    %max3A_645 = vector.broadcast %min3A_55 : vector<1x2000xf32> to vector<250x2000xf32>
    %max3A_646 = arith.maximumf %max3A_644, %max3A_645 : vector<250x2000xf32>
    %sub3A_647 = arith.subf %min3A_643, %max3A_646 : vector<250x2000xf32>
    %add3A_648 = arith.constant 1.000000e+00 : f32
    %add3A_649 = vector.broadcast %add3A_648 : f32 to vector<250x2000xf32>
    %add3A_650 = arith.addf %sub3A_647, %add3A_649 : vector<250x2000xf32>
    %max3A_651 = arith.constant 0.000000e+00 : f32
    %max3A_652 = vector.broadcast %max3A_651 : f32 to vector<250x2000xf32>
    %max3A_653 = arith.maximumf %add3A_650, %max3A_652 : vector<250x2000xf32>
    %min3A_654 = vector.broadcast %get3A_640 : vector<250x1xf32> to vector<250x2000xf32>
    %min3A_655 = vector.broadcast %min3A_91 : vector<1x2000xf32> to vector<250x2000xf32>
    %min3A_656 = arith.minimumf %min3A_654, %min3A_655 : vector<250x2000xf32>
    %max3A_657 = vector.broadcast %get3A_634 : vector<250x1xf32> to vector<250x2000xf32>
    %max3A_658 = vector.broadcast %min3A_65 : vector<1x2000xf32> to vector<250x2000xf32>
    %max3A_659 = arith.maximumf %max3A_657, %max3A_658 : vector<250x2000xf32>
    %sub3A_660 = arith.subf %min3A_656, %max3A_659 : vector<250x2000xf32>
    %add3A_661 = arith.constant 1.000000e+00 : f32
    %add3A_662 = vector.broadcast %add3A_661 : f32 to vector<250x2000xf32>
    %add3A_663 = arith.addf %sub3A_660, %add3A_662 : vector<250x2000xf32>
    %max3A_664 = arith.constant 0.000000e+00 : f32
    %max3A_665 = vector.broadcast %max3A_664 : f32 to vector<250x2000xf32>
    %max3A_666 = arith.maximumf %add3A_663, %max3A_665 : vector<250x2000xf32>
    %mul3A_667 = arith.mulf %max3A_653, %max3A_666 : vector<250x2000xf32>
    %sub3A_668 = arith.subf %get3A_637, %get3A_631 : vector<250x1xf32>
    %add3A_669 = arith.constant 1.000000e+00 : f32
    %add3A_670 = vector.broadcast %add3A_669 : f32 to vector<250x1xf32>
    %add3A_671 = arith.addf %sub3A_668, %add3A_670 : vector<250x1xf32>
    %sub3A_672 = arith.subf %get3A_640, %get3A_634 : vector<250x1xf32>
    %add3A_673 = arith.constant 1.000000e+00 : f32
    %add3A_674 = vector.broadcast %add3A_673 : f32 to vector<250x1xf32>
    %add3A_675 = arith.addf %sub3A_672, %add3A_674 : vector<250x1xf32>
    %mul3A_676 = arith.mulf %add3A_671, %add3A_675 : vector<250x1xf32>
    %add3A_677 = vector.broadcast %mul3A_676 : vector<250x1xf32> to vector<250x2000xf32>
    %add3A_678 = vector.broadcast %mul3A_100 : vector<1x2000xf32> to vector<250x2000xf32>
    %add3A_679 = arith.addf %add3A_677, %add3A_678 : vector<250x2000xf32>
    %sub3A_680 = arith.subf %add3A_679, %mul3A_667 : vector<250x2000xf32>
    %div3A_681 = arith.divf %mul3A_667, %sub3A_680 : vector<250x2000xf32>
    %iota3A_682 = tpu.iota {dimensions = array<i32: 0>} : vector<250x2000xi32>
    %add3A_683 = arith.constant 1500 : i32
    %add3A_684 = vector.broadcast %add3A_683 : i32 to vector<250x2000xi32>
    %add3A_685 = arith.addi %iota3A_682, %add3A_684 : vector<250x2000xi32>
    %gt3A_686 = arith.constant 0.699999988 : f32
    %gt3A_687 = vector.broadcast %gt3A_686 : f32 to vector<250x2000xf32>
    %gt3A_688 = arith.cmpf ogt, %div3A_681, %gt3A_687 : vector<250x2000xf32>
    %lt3A_689 = vector.broadcast %iota3A : vector<1x2000xi32> to vector<250x2000xi32>
    %lt3A_690 = arith.cmpi slt, %add3A_685, %lt3A_689 : vector<250x2000xi32>
    %and3A_691 = arith.andi %gt3A_688, %lt3A_690 : vector<250x2000xi1>
    %convert_element_type3A_692 = arith.extui %and3A_691 : vector<250x2000xi1> to vector<250x2000xi32>
    %convert_element_type3A_693 = arith.sitofp %convert_element_type3A_692 : vector<250x2000xi32> to vector<250x2000xf32>
    %convert_element_type3A_694 = arith.truncf %convert_element_type3A_693 : vector<250x2000xf32> to vector<250x2000xbf16>
    %swap3A_695 = arith.constant 1500 : index
    %swap3A_696 = arith.constant 0 : index
    %swap3A_697 = vector.load %arg7[%swap3A_695, %swap3A_696] : memref<2000x2000xbf16, #tpu.memory_space<vmem>>, vector<250x2000xbf16>
    tpu.vector_store %arg7[%swap3A_695, %swap3A_696], %convert_element_type3A_694 {strides = array<i32>} : memref<2000x2000xbf16, #tpu.memory_space<vmem>>, vector<250x2000xbf16>,
    %get3A_698 = arith.constant 1750 : index
    %get3A_699 = arith.constant 0 : index
    %get3A_700 = vector.load %arg6[%get3A_698, %get3A_699] : memref<2000x4xf32, #tpu.memory_space<vmem>>, vector<250x1xf32>
    %get3A_701 = arith.constant 1750 : index
    %get3A_702 = arith.constant 1 : index
    %get3A_703 = vector.load %arg6[%get3A_701, %get3A_702] : memref<2000x4xf32, #tpu.memory_space<vmem>>, vector<250x1xf32>
    %get3A_704 = arith.constant 1750 : index
    %get3A_705 = arith.constant 2 : index
    %get3A_706 = vector.load %arg6[%get3A_704, %get3A_705] : memref<2000x4xf32, #tpu.memory_space<vmem>>, vector<250x1xf32>
    %get3A_707 = arith.constant 1750 : index
    %get3A_708 = arith.constant 3 : index
    %get3A_709 = vector.load %arg6[%get3A_707, %get3A_708] : memref<2000x4xf32, #tpu.memory_space<vmem>>, vector<250x1xf32>
    %min3A_710 = vector.broadcast %get3A_706 : vector<250x1xf32> to vector<250x2000xf32>
    %min3A_711 = vector.broadcast %min3A_78 : vector<1x2000xf32> to vector<250x2000xf32>
    %min3A_712 = arith.minimumf %min3A_710, %min3A_711 : vector<250x2000xf32>
    %max3A_713 = vector.broadcast %get3A_700 : vector<250x1xf32> to vector<250x2000xf32>
    %max3A_714 = vector.broadcast %min3A_55 : vector<1x2000xf32> to vector<250x2000xf32>
    %max3A_715 = arith.maximumf %max3A_713, %max3A_714 : vector<250x2000xf32>
    %sub3A_716 = arith.subf %min3A_712, %max3A_715 : vector<250x2000xf32>
    %add3A_717 = arith.constant 1.000000e+00 : f32
    %add3A_718 = vector.broadcast %add3A_717 : f32 to vector<250x2000xf32>
    %add3A_719 = arith.addf %sub3A_716, %add3A_718 : vector<250x2000xf32>
    %max3A_720 = arith.constant 0.000000e+00 : f32
    %max3A_721 = vector.broadcast %max3A_720 : f32 to vector<250x2000xf32>
    %max3A_722 = arith.maximumf %add3A_719, %max3A_721 : vector<250x2000xf32>
    %min3A_723 = vector.broadcast %get3A_709 : vector<250x1xf32> to vector<250x2000xf32>
    %min3A_724 = vector.broadcast %min3A_91 : vector<1x2000xf32> to vector<250x2000xf32>
    %min3A_725 = arith.minimumf %min3A_723, %min3A_724 : vector<250x2000xf32>
    %max3A_726 = vector.broadcast %get3A_703 : vector<250x1xf32> to vector<250x2000xf32>
    %max3A_727 = vector.broadcast %min3A_65 : vector<1x2000xf32> to vector<250x2000xf32>
    %max3A_728 = arith.maximumf %max3A_726, %max3A_727 : vector<250x2000xf32>
    %sub3A_729 = arith.subf %min3A_725, %max3A_728 : vector<250x2000xf32>
    %add3A_730 = arith.constant 1.000000e+00 : f32
    %add3A_731 = vector.broadcast %add3A_730 : f32 to vector<250x2000xf32>
    %add3A_732 = arith.addf %sub3A_729, %add3A_731 : vector<250x2000xf32>
    %max3A_733 = arith.constant 0.000000e+00 : f32
    %max3A_734 = vector.broadcast %max3A_733 : f32 to vector<250x2000xf32>
    %max3A_735 = arith.maximumf %add3A_732, %max3A_734 : vector<250x2000xf32>
    %mul3A_736 = arith.mulf %max3A_722, %max3A_735 : vector<250x2000xf32>
    %sub3A_737 = arith.subf %get3A_706, %get3A_700 : vector<250x1xf32>
    %add3A_738 = arith.constant 1.000000e+00 : f32
    %add3A_739 = vector.broadcast %add3A_738 : f32 to vector<250x1xf32>
    %add3A_740 = arith.addf %sub3A_737, %add3A_739 : vector<250x1xf32>
    %sub3A_741 = arith.subf %get3A_709, %get3A_703 : vector<250x1xf32>
    %add3A_742 = arith.constant 1.000000e+00 : f32
    %add3A_743 = vector.broadcast %add3A_742 : f32 to vector<250x1xf32>
    %add3A_744 = arith.addf %sub3A_741, %add3A_743 : vector<250x1xf32>
    %mul3A_745 = arith.mulf %add3A_740, %add3A_744 : vector<250x1xf32>
    %add3A_746 = vector.broadcast %mul3A_745 : vector<250x1xf32> to vector<250x2000xf32>
    %add3A_747 = vector.broadcast %mul3A_100 : vector<1x2000xf32> to vector<250x2000xf32>
    %add3A_748 = arith.addf %add3A_746, %add3A_747 : vector<250x2000xf32>
    %sub3A_749 = arith.subf %add3A_748, %mul3A_736 : vector<250x2000xf32>
    %div3A_750 = arith.divf %mul3A_736, %sub3A_749 : vector<250x2000xf32>
    %iota3A_751 = tpu.iota {dimensions = array<i32: 0>} : vector<250x2000xi32>
    %add3A_752 = arith.constant 1750 : i32
    %add3A_753 = vector.broadcast %add3A_752 : i32 to vector<250x2000xi32>
    %add3A_754 = arith.addi %iota3A_751, %add3A_753 : vector<250x2000xi32>
    %gt3A_755 = arith.constant 0.699999988 : f32
    %gt3A_756 = vector.broadcast %gt3A_755 : f32 to vector<250x2000xf32>
    %gt3A_757 = arith.cmpf ogt, %div3A_750, %gt3A_756 : vector<250x2000xf32>
    %lt3A_758 = vector.broadcast %iota3A : vector<1x2000xi32> to vector<250x2000xi32>
    %lt3A_759 = arith.cmpi slt, %add3A_754, %lt3A_758 : vector<250x2000xi32>
    %and3A_760 = arith.andi %gt3A_757, %lt3A_759 : vector<250x2000xi1>
    %convert_element_type3A_761 = arith.extui %and3A_760 : vector<250x2000xi1> to vector<250x2000xi32>
    %convert_element_type3A_762 = arith.sitofp %convert_element_type3A_761 : vector<250x2000xi32> to vector<250x2000xf32>
    %convert_element_type3A_763 = arith.truncf %convert_element_type3A_762 : vector<250x2000xf32> to vector<250x2000xbf16>
    %swap3A_764 = arith.constant 1750 : index
    %swap3A_765 = arith.constant 0 : index
    %swap3A_766 = vector.load %arg7[%swap3A_764, %swap3A_765] : memref<2000x2000xbf16, #tpu.memory_space<vmem>>, vector<250x2000xbf16>
    tpu.vector_store %arg7[%swap3A_764, %swap3A_765], %convert_element_type3A_763 {strides = array<i32>} : memref<2000x2000xbf16, #tpu.memory_space<vmem>>, vector<250x2000xbf16>,
    %broadcast_in_dim3A = arith.constant 1.000000e+00 : f32
    %broadcast_in_dim3A_767 = vector.broadcast %broadcast_in_dim3A : f32 to vector<1x2000xf32>
    %while3A = arith.constant true
    %while3A_768:2 = scf.while (%while3A_812 = %broadcast_in_dim3A_767, %while3A_813 = %while3A) : (vector<1x2000xf32>, i1) -> (vector<1x2000xf32>, i1) {
      scf.condition(%while3A_813) %while3A_812, %while3A_813 : vector<1x2000xf32>, i1
    } do {
    ^bb0(%while3A_812: vector<1x2000xf32>, %while3A_813: i1):
      %convert_element_type3A_814 = arith.truncf %while3A_812 : vector<1x2000xf32> to vector<1x2000xbf16>
      %get3A_815 = arith.constant 0 : index
      %get3A_816 = arith.constant 0 : index
      %get3A_817 = vector.load %arg7[%get3A_815, %get3A_816] : memref<2000x2000xbf16, #tpu.memory_space<vmem>>, vector<2000x2000xbf16>
      %dot_general3A_818 = arith.constant dense<0.000000e+00> : vector<1x2000xf32>
      %dot_general3A_819 = tpu.matmul %convert_element_type3A_814, %get3A_817, %dot_general3A_818 {dimension_numbers = #tpu.dot_dimension_numbers<[1], [0], [0], [1], [0, 0, 1, 1], [], []>, transpose_lhs_hint = false} : vector<1x2000xbf16>, vector<2000x2000xbf16>, vector<1x2000xf32> -> vector<1x2000xf32>
      %lt3A_820 = arith.constant 5.000000e-01 : f32
      %lt3A_821 = vector.broadcast %lt3A_820 : f32 to vector<1x2000xf32>
      %lt3A_822 = arith.cmpf olt, %dot_general3A_819, %lt3A_821 : vector<1x2000xf32>
      %convert_element_type3A_823 = arith.extui %lt3A_822 : vector<1x2000xi1> to vector<1x2000xi32>
      %convert_element_type3A_824 = arith.sitofp %convert_element_type3A_823 : vector<1x2000xi32> to vector<1x2000xf32>
      %ne3A = arith.cmpf one, %convert_element_type3A_824, %while3A_812 : vector<1x2000xf32>
      %reduce_or3A = arith.constant 1.000000e+00 : f32
      %reduce_or3A_825 = arith.constant 0.000000e+00 : f32
      %reduce_or3A_826 = vector.broadcast %reduce_or3A : f32 to vector<1x2000xf32>
      %reduce_or3A_827 = vector.broadcast %reduce_or3A_825 : f32 to vector<1x2000xf32>
      %reduce_or3A_828 = arith.select %ne3A, %reduce_or3A_826, %reduce_or3A_827 : vector<1x2000xi1>, vector<1x2000xf32>
      %reduce_or3A_829 = vector.shape_cast %reduce_or3A_828 : vector<1x2000xf32> to vector<1x1x2000xf32>
      %reduce_or3A_830 = arith.constant dense<0xFF800000> : vector<1xf32>
      %reduce_or3A_831 = vector.multi_reduction <maximumf>, %reduce_or3A_829, %reduce_or3A_830 [1, 2] : vector<1x1x2000xf32> to vector<1xf32>
      %reduce_or3A_832 = vector.shape_cast %reduce_or3A_831 : vector<1xf32> to vector<1x1x1xf32>
      %reduce_or3A_833 = vector.extract %reduce_or3A_832[0, 0, 0] : f32 from vector<1x1x1xf32>
      %reduce_or3A_834 = arith.constant 0.000000e+00 : f32
      %reduce_or3A_835 = arith.cmpf ogt, %reduce_or3A_833, %reduce_or3A_834 : f32
      scf.yield %convert_element_type3A_824, %reduce_or3A_835 : vector<1x2000xf32>, i1
    }
    %iota3A_769 = tpu.iota {dimensions = array<i32: 0>} : vector<2000x2000xi32>
    %iota3A_770 = tpu.iota {dimensions = array<i32: 1>} : vector<2000x2000xi32>
    %le3A = arith.cmpi sle, %iota3A_769, %iota3A_770 : vector<2000x2000xi32>
    %convert_element_type3A_771 = arith.extui %le3A : vector<2000x2000xi1> to vector<2000x2000xi32>
    %convert_element_type3A_772 = arith.sitofp %convert_element_type3A_771 : vector<2000x2000xi32> to vector<2000x2000xf32>
    %convert_element_type3A_773 = arith.truncf %convert_element_type3A_772 : vector<2000x2000xf32> to vector<2000x2000xbf16>
    %convert_element_type3A_774 = arith.truncf %while3A_768#0 : vector<1x2000xf32> to vector<1x2000xbf16>
    %dot_general3A = arith.constant dense<0.000000e+00> : vector<1x2000xf32>
    %dot_general3A_775 = tpu.matmul %convert_element_type3A_774, %convert_element_type3A_773, %dot_general3A {dimension_numbers = #tpu.dot_dimension_numbers<[1], [0], [0], [1], [0, 0, 1, 1], [], []>, transpose_lhs_hint = false} : vector<1x2000xbf16>, vector<2000x2000xbf16>, vector<1x2000xf32> -> vector<1x2000xf32>
    %slice3A = vector.extract_strided_slice %dot_general3A_775 {offsets = [0, 1999], sizes = [1, 1], strides = [1, 1]} : vector<1x2000xf32> to vector<1x1xf32>
    %squeeze3A = vector.extract %slice3A[0, 0] : f32 from vector<1x1xf32>
    %convert_element_type3A_776 = arith.sitofp %iota3A : vector<1x2000xi32> to vector<1x2000xf32>
    %gt3A_777 = arith.constant 5.000000e-01 : f32
    %gt3A_778 = vector.broadcast %gt3A_777 : f32 to vector<1x2000xf32>
    %gt3A_779 = arith.cmpf ogt, %while3A_768#0, %gt3A_778 : vector<1x2000xf32>
    %sub3A_780 = arith.constant 1.000000e+00 : f32
    %sub3A_781 = vector.broadcast %sub3A_780 : f32 to vector<1x2000xf32>
    %sub3A_782 = arith.subf %dot_general3A_775, %sub3A_781 : vector<1x2000xf32>
    %add3A_783 = vector.broadcast %squeeze3A : f32 to vector<1x2000xf32>
    %add3A_784 = arith.addf %add3A_783, %convert_element_type3A_776 : vector<1x2000xf32>
    %sub3A_785 = arith.subf %add3A_784, %dot_general3A_775 : vector<1x2000xf32>
    %select_n3A = arith.select %gt3A_779, %sub3A_782, %sub3A_785 : vector<1x2000xi1>, vector<1x2000xf32>
    %iota3A_786 = tpu.iota {dimensions = array<i32: 0>} : vector<1000x2000xi32>
    %convert_element_type3A_787 = arith.fptosi %select_n3A : vector<1x2000xf32> to vector<1x2000xi32>
    %eq3A = vector.broadcast %convert_element_type3A_787 : vector<1x2000xi32> to vector<1000x2000xi32>
    %eq3A_788 = arith.cmpi eq, %iota3A_786, %eq3A : vector<1000x2000xi32>
    %convert_element_type3A_789 = arith.extui %eq3A_788 : vector<1000x2000xi1> to vector<1000x2000xi32>
    %convert_element_type3A_790 = arith.sitofp %convert_element_type3A_789 : vector<1000x2000xi32> to vector<1000x2000xf32>
    %get3A_791 = arith.constant 0 : index
    %get3A_792 = arith.constant 0 : index
    %get3A_793 = vector.load %arg6[%get3A_791, %get3A_792] : memref<2000x4xf32, #tpu.memory_space<vmem>>, vector<2000x4xf32>
    %dot_general3A_794 = arith.constant dense<0.000000e+00> : vector<1000x4xf32>
    %dot_general3A_795 = tpu.matmul %convert_element_type3A_790, %get3A_793, %dot_general3A_794 {dimension_numbers = #tpu.dot_dimension_numbers<[1], [0], [0], [1], [0, 0, 1, 1], [], []>, transpose_lhs_hint = false} : vector<1000x2000xf32>, vector<2000x4xf32>, vector<1000x4xf32> -> vector<1000x4xf32>
    %swap3A_796 = arith.constant 0 : index
    %swap3A_797 = arith.constant 0 : index
    %swap3A_798 = vector.load %arg5[%swap3A_796, %swap3A_797] : memref<1000x5xf32, #tpu.memory_space<vmem>>, vector<1000x4xf32>
    tpu.vector_store %arg5[%swap3A_796, %swap3A_797], %dot_general3A_795 {strides = array<i32>} : memref<1000x5xf32, #tpu.memory_space<vmem>>, vector<1000x4xf32>,
    %gt3A_799 = arith.constant 5.000000e-01 : f32
    %gt3A_800 = vector.broadcast %gt3A_799 : f32 to vector<1x2000xf32>
    %gt3A_801 = arith.cmpf ogt, %while3A_768#0, %gt3A_800 : vector<1x2000xf32>
    %jit3A_802 = arith.constant -1.000000e+00 : f32
    %broadcast_in_dim3A_803 = vector.broadcast %jit3A_802 : f32 to vector<1x2000xf32>
    %select_n3A_804 = arith.select %gt3A_801, %logistic3A_108, %broadcast_in_dim3A_803 : vector<1x2000xi1>, vector<1x2000xf32>
    %mul3A_805 = vector.broadcast %select_n3A_804 : vector<1x2000xf32> to vector<1000x2000xf32>
    %mul3A_806 = arith.mulf %convert_element_type3A_790, %mul3A_805 : vector<1000x2000xf32>
    %reduce_sum3A = arith.constant dense<0.000000e+00> : vector<1000xf32>
    %reduce_sum3A_807 = vector.multi_reduction <add>, %mul3A_806, %reduce_sum3A [1] : vector<1000x2000xf32> to vector<1000xf32>
    %broadcast_in_dim3A_808 = vector.shape_cast %reduce_sum3A_807 : vector<1000xf32> to vector<1000x1xf32>
    %swap3A_809 = arith.constant 0 : index
    %swap3A_810 = arith.constant 4 : index
    %swap3A_811 = vector.load %arg5[%swap3A_809, %swap3A_810] : memref<1000x5xf32, #tpu.memory_space<vmem>>, vector<1000x1xf32>
    tpu.vector_store %arg5[%swap3A_809, %swap3A_810], %broadcast_in_dim3A_808 {strides = array<i32>} : memref<1000x5xf32, #tpu.memory_space<vmem>>, vector<1000x1xf32>,
    return
  }
}

</mosaic_0001>

<sc_bundles>
// kernel: gather_offload_async_start.1
scs
__scs_entry_jumppad:
0x0: {  	(pc) =	sbr.rel $0x88, $3  }
0x1: {  	(tag) =	ssettag $0x0;
	lr =	simm.s32 $0x1  }
0x2: {  	[smem:$0x3F9E] =	sst lr;
	_ =	strace $0xD0000000  }
0x3: {  	_ = 	snop  }
0x4: {  	_ = 	snop  }
0x5: {  	_ = 	snop  }
0x6: {  	_ = 	snop  }
0x7: {  	_ = 	snop  }
__scs_overlays_trampoline_lowered:
0x8: {  	[smem:$0x3FAD] =	sst s0  }
0x9: {  	[smem:$0x3FAE] =	sst s1  }
0xa: {  	[smem:$0x3FAF] =	sst s2  }
0xb: {  	[smem:$0x3FB0] =	sst s3  }
0xc: {  	[smem:$0x3FB1] =	sst s4  }
0xd: {  	[smem:$0x3FB2] =	sst s5  }
0xe: {  	[smem:$0x3FB3] =	sst s6  }
0xf: {  	[smem:$0x3FB4] =	sst s7  }
0x10: {  	[smem:$0x3FB5] =	sst s8  }
0x11: {  	[smem:$0x3FB6] =	sst s9;
	s0 =	simm.s32 @!p0 $0x0  }
0x12: {  	s1 =	sld [smem:$0x3F9C];
	s0 =	simm.s32 @p0 $0x1  }
0x13: {  	[smem:$0x3FB7] =	sst s0;
	s0 =	simm.s32 @!p1 $0x0  }
0x14: {  	s2 =	sld [smem:$0x3F9B];
	s0 =	simm.s32 @p1 $0x1  }
0x15: {  	[smem:$0x3FB8] =	sst s0;
	s0 =	simm.s32 @!p2 $0x0  }
0x16: {  	s3 =	sld [smem:$0x3FDB];
	s0 =	simm.s32 @p2 $0x1  }
0x17: {  	s4 =	simm.s32 $0x1BF5;
	[smem:$0x3FBA] =	sst s0  }
0x18: {  	s0 =	sld [smem:$0x3F9D];
	_ =	swait.ge [sflag:s4], $0x0  }
0x19: {  	s7 =	sld [smem:$0x3F9E]  }
0x1a: {  	s8 =	sadd.s32 $0xFFFFE003, lr  }
0x1b: {  	s9 =	sadd.s32 $0xFFFFFEF7, lr;
	s5 =	simm.s32 $0xFFFFFFFF;
	p2 =	slt.u32 s8, $0xFFFFF086  }
0x1c: {  	p1 =	slt.u32 s9, $0xF7A;
	s5 =	simm.s32 @!p2 $0x0  }
0x1d: {  	s5 =	simm.s32 @p1 $0x1;
	p0 =	seq.s32 s7, s2  }
0x1e: {  	s7 =	smul.u32 @!p0 $0xF7A, s2;
	p2 =	seq.s32 @!p0 s5, $0x0  }
0x1f: {  	s9 =	smul.u32 $0xF7A, s1;
	s8 =	simm.s32 @!p0 $0x1BF5;
	p2 =	por !p2, p0  }
0x20: {  	[sflag:s8] =	ssyncset.s32 @!p0 $0xFFFFF086;
	s6 =	sadd.s32 @!p0 s3, s7;
	s7 =	simm.s32 @!p0 $0x108  }
0x21: {  	s3 =	sadd.s32 s3, s9;
	s6 =	sadd.s32 @!p0 $0x88, s6;
	s7 =	simm.s32 @p2 $0x1082  }
0x22: {  	[simem:s7], [sflag:s8] =	dma.local @!p0 [hbm:s6], $0xF7A  }
0x23: {  	s9 =	sor.u32 $0xD0000000, s2;
	s6 =	simm.s32 $0x108;
	_ =	swait.ge @!p0 [sflag:s8], $0x0  }
0x24: {  	s3 =	sadd.s32 $0x88, s3;
	s6 =	simm.s32 @!p1 $0x1082;
	[sflag:s4] =	ssyncset.s32 $0xFFFFF086  }
0x25: {  	[simem:s6], [sflag:s4] =	dma.local [hbm:s3], $0xF7A  }
0x26: {  	[smem:$0x3F9E] =	sst s1;
	(tag) =	ssettag s2;
	_ =	strace s9  }
0x27: {  	s1 =	sld [smem:$0x3FAE]  }
0x28: {  	s2 =	sld [smem:$0x3FAF]  }
0x29: {  	s4 =	sld [smem:$0x3FB1]  }
0x2a: {  	p0 =	seq.s32 s5, $0x0;
	s5 =	sld [smem:$0x3FB2]  }
0x2b: {  	s6 =	sld [smem:$0x3FB3]  }
0x2c: {  	s7 =	sld [smem:$0x3FB4]  }
0x2d: {  	s3 =	simm.s32 $0x108;
	s8 =	sld [smem:$0x3FB5]  }
0x2e: {  	s3 =	simm.s32 @!p0 $0x1082;
	s9 =	sld [smem:$0x3FB6]  }
0x2f: {  	lr =	sadd.s32 s0, s3;
	s0 =	sld [smem:$0x3FAD]  }
0x30: {  	s3 =	sld [smem:$0x3FB0]  }
0x31: {  	[smem:$0x3FB9] =	sst s10  }
0x32: {  	s10 =	sld [smem:$0x3FB7];
	_ =	sdelay $0x3  }
0x33: {  	p0 =	seq.s32 s10, $0x1;
	s10 =	sld [smem:$0x3FB9];
	_ =	sdelay $0x3  }
0x34: {  	[smem:$0x3FB9] =	sst s10  }
0x35: {  	s10 =	sld [smem:$0x3FB8];
	_ =	sdelay $0x3  }
0x36: {  	p1 =	seq.s32 s10, $0x1;
	s10 =	sld [smem:$0x3FB9];
	_ =	sdelay $0x3  }
0x37: {  	[smem:$0x3FB9] =	sst s10  }
0x38: {  	s10 =	sld [smem:$0x3FBA]  }
0x39: {  	_ = 	snop;
	(pc) =	sbr.ind lr, $3  }
0x3a: {  	_ = 	snop  }
0x3b: {  	_ = 	snop  }
0x3c: {  	p2 =	seq.s32 s10, $0x1;
	s10 =	sld [smem:$0x3FB9]  }
0x3d: {  	_ =	shalt  }
0x3e: {  	_ =	shalt  }
0x3f: {  	_ =	shalt  }
0x40: {  	_ =	shalt  }
0x41: {  	_ =	shalt  }
0x42: {  	_ =	shalt  }
0x43: {  	_ =	shalt  }
0x44: {  	_ =	shalt  }
0x45: {  	_ =	shalt  }
0x46: {  	_ =	shalt  }
0x47: {  	_ =	shalt  }
0x48: {  	_ =	shalt  }
0x49: {  	_ =	shalt  }
0x4a: {  	_ =	shalt  }
0x4b: {  	_ =	shalt  }
0x4c: {  	_ =	shalt  }
0x4d: {  	_ =	shalt  }
0x4e: {  	_ =	shalt  }
0x4f: {  	_ =	shalt  }
0x50: {  	_ =	shalt  }
0x51: {  	_ =	shalt  }
0x52: {  	_ =	shalt  }
0x53: {  	_ =	shalt  }
0x54: {  	_ =	shalt  }
0x55: {  	_ =	shalt  }
0x56: {  	_ =	shalt  }
0x57: {  	_ =	shalt  }
0x58: {  	_ =	shalt  }
0x59: {  	_ =	shalt  }
0x5a: {  	_ =	shalt  }
0x5b: {  	_ =	shalt  }
0x5c: {  	_ =	shalt  }
0x5d: {  	_ =	shalt  }
0x5e: {  	_ =	shalt  }
0x5f: {  	_ =	shalt  }
0x60: {  	_ =	shalt  }
0x61: {  	_ =	shalt  }
0x62: {  	_ =	shalt  }
0x63: {  	_ =	shalt  }
0x64: {  	_ =	shalt  }
0x65: {  	_ =	shalt  }
0x66: {  	_ =	shalt  }
0x67: {  	_ =	shalt  }
0x68: {  	_ =	shalt  }
0x69: {  	_ =	shalt  }
0x6a: {  	_ =	shalt  }
0x6b: {  	_ =	shalt  }
0x6c: {  	_ =	shalt  }
0x6d: {  	_ =	shalt  }
0x6e: {  	_ =	shalt  }
0x6f: {  	_ =	shalt  }
0x70: {  	_ =	shalt  }
0x71: {  	_ =	shalt  }
0x72: {  	_ =	shalt  }
0x73: {  	_ =	shalt  }
0x74: {  	_ =	shalt  }
0x75: {  	_ =	shalt  }
0x76: {  	_ =	shalt  }
0x77: {  	_ =	shalt  }
0x78: {  	_ =	shalt  }
0x79: {  	_ =	shalt  }
0x7a: {  	_ =	shalt  }
0x7b: {  	_ =	shalt  }
0x7c: {  	_ =	shalt  }
0x7d: {  	_ =	shalt  }
0x7e: {  	_ =	shalt  }
0x7f: {  	_ =	shalt  }
0x80: {  	_ =	shalt  }
0x81: {  	_ =	shalt  }
0x82: {  	_ =	shalt  }
0x83: {  	_ =	shalt  }
0x84: {  	_ =	shalt  }
0x85: {  	_ =	shalt  }
0x86: {  	_ =	shalt  }
0x87: {  	_ =	shalt  }
.Lfunc_end0:
.L_simem_size_0:
called_computation.1_lowered:
.L_overlay_start_0:
0x88: {  	s0 =	sld [smem:$0x3FD9]  }
0x89: {  	s1 =	sld [smem:$0x3FFE];
	_ =	sdelay $0x3  }
0x8a: {  	s0 =	sadd.s32 s1, s0  }
0x8b: {  	[smem:$0x3FC5] =	sst s0  }
0x8c: {  	_ = 	snop  }
0x8d: {  	s0 =	sld [smem:$0x3FD0];
	(tm) =	ssettm $0x1  }
0x8e: {  	s16 =	sld [smem:$0x3FFB];
	_ =	sdelay $0x3  }
0x8f: {  	_ =	strace s16  }
0x90: {  	s1 =	sld [smem:$0x3FFC];
	_ =	sdelay $0x3  }
0x91: {  	_ =	strace s1  }
0x92: {  	s1 =	sld [smem:$0x3FFD];
	_ =	sdelay $0x3  }
0x93: {  	_ =	strace s1  }
0x94: {  	_ =	strace $0x8FFFFFFF  }
0x95: {  	s17 =	sld [smem:$0x3FDB];
	_ =	sdelay $0x1  }
0x96: {  	s2 =	simm.s32 $_scs_section_size  }
0x97: {  	s3 =	simm.s32 $_size__tile_overlayer_lowered;
	s4 =	simm.s32 $_tile_overlayer_lowered  }
0x98: {  	s20 =	simm.s32 $0x1BFF;
	s19 =	sshll.u32 s4, $0x1;
	s1 =	sadd.s32 s2, s17  }
0x99: {  	s5 =	simm.s32 $0x0;
	s18 =	sshll.u32 s3, $0x1;
	s3 =	sadd.s32 s19, s1  }
0x9a: {  	[timem:s5], [sflag:s20] =	dma.local [hbm:s3], s18  }
0x9b: {  	_ =	swait.ge [sflag:s20], s18  }
0x9c: {  	s2 =	ssub.s32 $0x0, s18;
	[sflag:s20] =	ssyncset.done $0x0  }
0x9d: {  	[sflag:s20] =	ssyncadd.s32 s2;
	_ =	sdelay $0x1  }
0x9e: {  	s21 =	simm.s32 $0x1B8B  }
0x9f: {  	_ =	swait.ge [sflag:s21], $0x1  }
0xa0: {  	[sflag:s21] =	ssyncset.done $0x0  }
0xa1: {  	s23 =	simm.s32 $0x1B8E;
	s22 =	sld [smem:$0x3FFE];
	[sflag:s21] =	ssyncadd.s32 $0xFFFFFFFF  }
0xa2: {  	s24 =	simm.s32 $execute0_lowered;
	[smem:$0x3FD2] =	sst s23  }
0xa3: {  	s3 =	sshll.u32 s24, $0x1;
	_ =	strace $0x80000049;
	[dreg:$0x1] =	wrdreg $0xFFFFFFFF  }
0xa4: {  	s25 =	simm.s32 $_size_execute0_lowered;
	s1 =	sadd.s32 s1, s3;
	[dreg:$0x0] =	wrdreg $0x0  }
0xa5: {  	s3 =	sshll.u32 s25, $0x1;
	[dreg:$0x2] =	wrdreg s1  }
0xa6: {  	[dreg:$0x3] =	wrdreg s3  }
0xa7: {  	[dreg:$0x4] =	wrdreg $0xC0  }
0xa8: {  	_ =	task [dreg:s5], $0x5FFFF  }
0xa9: {  	[dreg:$0x1] =	wrdreg $0xFFFFFFFF  }
0xaa: {  	[dreg:$0x0] =	wrdreg $0x60  }
0xab: {  	[dreg:$0x2] =	wrdreg s22  }
0xac: {  	[dreg:$0x3] =	wrdreg s0  }
0xad: {  	[dreg:$0x4] =	wrdreg $0xA  }
0xae: {  	_ =	task.clear_ibuf [dreg:s5], $0x5FFFF;
	_ =	strace $0x90000049  }
0xaf: {  	s26 =	simm.s32 $0xA;
	_ =	strace $0x8000004B  }
0xb0: {  	_ =	swait.ge [sflag:s26], $0x1  }
0xb1: {  	[sflag:s26] =	ssyncadd.s32 $0xFFFFFFFF  }
0xb2: {  	_ =	strace $0x9000004B  }
0xb3: {  	_ =	sfence  }
0xb4: {  	s28 =	sld [smem:$0x0];
	_ =	sdelay $0x1  }
0xb5: {  	s29 =	srdreg.scid  }
0xb6: {  	s30 =	sshll.u32 s29, $0xD;
	s31 =	sshrl.u32 s29, $0x2  }
0xb7: {  	s2 =	sand.u32 $0x4000, s30;
	s1 =	sand.u32 $0x1, s29;
	s0 =	sadd.s32 s31, s28  }
0xb8: {  	s1 =	sor.u32 s2, s1;
	s0 =	sshll.u32 s0, $0x11  }
0xb9: {  	s0 =	sor.u32 s0, s1  }
0xba: {  	s0 =	sadd.s32 $0x8F2B, s0  }
0xbb: {  	[sflag:s0] =	ssyncadd.remote.s32 $0x1  }
0xbc: {  	_ =	sfence.sel $0xFFFF  }
0xbd: {  	[dreg:$0x0] =	wrdreg $0xFFFFFFFF;
	(pc) =	sbr.abs _section_cstart, $3  }
0xbe: {  	[dreg:$0x1] =	wrdreg $0xFFFFFFFF  }
0xbf: {  	_ =	task.clear_ibuf [dreg:s5], $0x2FFFF;
	_ =	strace $0x9FFFFFFF  }
0xc0: {  	(tm) =	ssettm $0x7FFFFFFF  }
0xc1: {  	_ =	shalt  }
tec
execute0_lowered:
.L_overlay_start_1:
0x0: {  	(tag) =	ssettag $0x1  }
0x1: {  	s0 =	stileid.u32  }
0x2: {  	s1 =	smin.u32 s0, $0x9  }
0x3: {  	s1 =	sadd.s32 s0, s1  }
0x4: {  	s2 =	simm.s32 $0xA0;
	p0 =	slt.u32 s0, $0x9;
	s1 =	smul.u32 $0x50, s1  }
0x5: {  	s2 =	simm.s32 @!p0 $0x50  }
0x6: {  	s2 =	sadd.s32 s2, s1  }
0x7: {  	s3 =	smin.u32 s2, $0x7D0  }
0x8: {  	s7 =	ssub.s32 s3, s1  }
0x9: {  	p0 =	sgt.s32 s7, $0x0  }
0xa: {  	s7 =	simm.s32 @!p0 $0x0  }
0xb: {  	s9 =	rddreg [dreg:$0x0];
	s31 =	smul.u32 $0xCCCD, s7  }
0xc: {  	s4 =	rddreg [dreg:$0x1];
	s6 =	simm.s32 $0x1  }
0xd: {  	s11 =	simm.s32 $0x3;
	s13 =	simm.s32 $0x0;
	s8 =	sshrl.u32 s31, $0x16  }
0xe: {  	s12 =	simm.s32 $0x0;
	s5 =	sadd.s32 $0x56000, s9;
	s10 =	smul.u32 $0x50, s8  }
.Ltmp0:
0xf: {  	s9 =	sadd.s32 $0xA4200, s9;
	s2 =	rddreg [dreg:$0x2];
	(pc) =	sbr.rel .LBB2_1-.Ltmp0, $4  }
0x10: {  	_ =	strace $0x8000004A;
	p0 =	sne.s32 s7, s10;
	s10 =	simm.s32 $0x1  }
0x11: {  	[sflag:s6] =	ssyncpa.u1 $0x0;
	s7 =	simm.s32 $0x2;
	s10 =	simm.s32 @!p0 $0x0  }
0x12: {  	[sflag:s7] =	ssyncpa.u1 $0x0;
	p0 =	por $0x0, $0x0;
	s8 =	sadd.s32 s8, s10  }
0x13: {  	vm0 =	vmmov $0xff;
	vm1 =	vcmask $0x3F20;
	[sflag:s11] =	ssyncpa.u1 $0x0;
	s11 =	smov.u32 s1;
	s10 =	sadd.s32 $0x1, s8  }
.LBB2_6:
0x14: {  	[hbm:s17] =	stream.linear.scatter [tilespmem:s14], [sflag:$0x3], $0x400, $0x38;
	[tilespmem:$0x50A0] =	vst v63  }
.LBB2_7:
0x15: {  	s13 =	sadd.s32 $0x50, s11  }
0x16: {  	s15 =	smov.u32 s1;
	p2 =	slt.s32 s13, s3  }
0x17: {  	s15 =	smov.u32 @p2 s13;
	p2 =	sne.s32 s12, s10  }
.Ltmp1:
0x18: {  	p1 =	slt.u32 s12, $0x2;
	(pc) =	sbr.rel @!p2 .LBB2_8-.Ltmp1, $4  }
0x19: {  	s14 =	simm.s32 @!p1 $0x3  }
0x1a: {  	s16 =	sadd.s32 $0x1, s12;
	_ =	swait.ge @!p1 [sflag:s14], $0x2800  }
0x1b: {  	p0 =	por !p0, !p0;
	s13 =	smov.u32 s11;
	[sflag:s14] =	ssyncset.done @!p1 $0x0  }
0x1c: {  	s12 =	smov.u32 s16;
	s11 =	smov.u32 s15;
	[sflag:s14] =	ssyncadd.s32 @!p1 $0xFFFFD800  }
.LBB2_1:
0x1d: {  	p1 =	sge.u32 s12, s8  }
0x1e: {  	s14 =	sxor.u32 @!p1 $0xFFFFFFFF, s12  }
0x1f: {  	s14 =	sand.u32 @!p1 $0x1, s14  }
0x20: {  	s14 =	smul.u32 @!p1 $0x140, s14  }
0x21: {  	s31 =	sadd.s32 $0xFFFFFFFF, s12;
	s15 =	sshrl.u32 @!p1 s11, $0x3  }
0x22: {  	s16 =	sand.u32 @!p1 $0x7, s11;
	s15 =	sadd.s32 @!p1 s4, s15;
	s14 =	sshrl.u32 @!p1 s14, $0x2  }
0x23: {  	[tilespmem:s14], [sflag:$0x2] =	stream.linear.gather @!p1 [hbm4b:s15+s16], $0x50, $0x38;
	[tilespmem:$0x50A0] =	vst v63  }
0x24: {  	p1 =	sge.u32 s31, s8  }
.Ltmp2:
0x25: {  	_ = 	snop;
	(pc) =	sbr.rel @p1 .LBB2_7-.Ltmp2, $1  }
0x26: {  	_ =	sdelay $0x3  }
0x27: {  	s14 =	simm.s32 $0x1  }
0x28: {  	s14 =	simm.s32 @!p0 $0x0  }
0x29: {  	s15 =	smul.u32 $0x140, s14  }
0x2a: {  	_ =	swait.ge [sflag:s7], $0x50  }
0x2b: {  	[sflag:s7] =	ssyncset.done $0x0;
	s16 =	sshrl.u32 s15, $0x2  }
0x2c: {  	[sflag:s7] =	ssyncadd.s32 $0xFFFFFFB0;
	s15 =	sadd.s32 $0x0, s16  }
0x2d: {  	v0 =	vld.msk [tilespmem:s15+$0x0 ss:$0x1], $0xffff;
	_ =	sdelay $0x4  }
0x2e: {  	vm2 =	vgt.s32 v0, $0x0  }
0x2f: {  	v0 =	vnsel vm2, $0x0, v0  }
0x30: {  	v0 =	vmin.u32 v0, $0x4E1F  }
0x31: {  	v0 =	vshll.u32 v0, $0x4  }
0x32: {  	s14 =	smul.u32 $0xA000, s14;
	_ =	sdelay $0x1  }
0x33: {  	s14 =	sshrl.u32 s14, $0x2  }
0x34: {  	s14 =	sor.u32 $0xA0, s14  }
0x35: {  	[tilespmem:s14], [sflag:$0x1] =	stream.indirect_vreg.gather [hbm:s5], $0x80, v0, vm0, $0x38;
	[tilespmem:$0x50A0] =	vst v63  }
0x36: {  	s17 =	sadd.s32 $0x10, s16;
	s15 =	sadd.s32 $0x400, s14  }
0x37: {  	[tilespmem:s15], [sflag:$0x1] =	stream.indirect_vreg.gather [hbm:s5], $0x80, v0, vm1, $0x38;
	[tilespmem:$0x50A0] =	vst v63  }
0x38: {  	s18 =	simm.s32 $0x80;
	v0 =	vld.msk [tilespmem:s17+$0x0 ss:$0x1], $0xffff;
	s17 =	smov.u32 s14  }
.LBB2_3:
0x39: {  	p1 =	sne.s32 s18, $0x100;
	_ =	sdelay $0x4  }
0x3a: {  	vm2 =	vgt.s32 v0, $0x0  }
0x3b: {  	v0 =	vnsel vm2, $0x0, v0  }
0x3c: {  	v0 =	vmin.u32 v0, $0x4E1F  }
0x3d: {  	v0 =	vshll.u32 v0, $0x4;
	_ =	sdelay $0x3  }
.Ltmp3:
0x3e: {  	s19 =	sshra.s32 s18, $0x2;
	s17 =	sadd.s32 $0x800, s17;
	(pc) =	sbr.rel @p1 .LBB2_3-.Ltmp3, $4  }
0x3f: {  	[tilespmem:s17], [sflag:$0x1] =	stream.indirect_vreg.gather [hbm:s5], $0x80, v0, vm0, $0x38;
	[tilespmem:$0x50A0] =	vst v63  }
0x40: {  	s19 =	sadd.s32 s19, s16;
	s20 =	sadd.s32 $0x400, s17  }
0x41: {  	[tilespmem:s20], [sflag:$0x1] =	stream.indirect_vreg.gather [hbm:s5], $0x80, v0, vm1, $0x38;
	[tilespmem:$0x50A0] =	vst v63  }
0x42: {  	s18 =	sadd.s32 $0x40, s18;
	v0 =	vld.msk [tilespmem:s19+$0x0 ss:$0x1], $0xffff  }
0x43: {  	_ =	sdelay $0x3  }
0x44: {  	vm2 =	vgt.s32 v0, $0x0  }
0x45: {  	v0 =	vnsel vm2, $0x0, v0  }
0x46: {  	v0 =	vmin.u32 v0, $0x4E1F  }
0x47: {  	v0 =	vshll.u32 v0, $0x4;
	_ =	sdelay $0x3  }
0x48: {  	s16 =	sadd.s32 $0x800, s17  }
0x49: {  	[tilespmem:s16], [sflag:$0x1] =	stream.indirect_vreg.gather [hbm:s5], $0x80, v0, vm0, $0x38;
	[tilespmem:$0x50A0] =	vst v63  }
0x4a: {  	s16 =	sadd.s32 $0x400, s16  }
0x4b: {  	[tilespmem:s16], [sflag:$0x1] =	stream.indirect_vreg.gather [hbm:s5], $0x80, v0, vm1, $0x38;
	[tilespmem:$0x50A0] =	vst v63  }
0x4c: {  	s13 =	sshll.u32 s13, $0x4;
	_ =	swait.ge [sflag:s6], $0x2800  }
0x4d: {  	s13 =	sadd.s32 s13, s9;
	[sflag:s6] =	ssyncset.done $0x0  }
0x4e: {  	s17 =	sadd.s32 $0x0, s13;
	s16 =	simm.s32 $0x80;
	[sflag:s6] =	ssyncadd.s32 $0xFFFFD800  }
.LBB2_5:
0x4f: {  	[hbm:s17] =	stream.linear.scatter [tilespmem:s14], [sflag:$0x3], $0x400, $0x38;
	[tilespmem:$0x50A0] =	vst v63  }
0x50: {  	s17 =	smov.u32 s16;
	s14 =	smov.u32 s15;
	p1 =	sne.s32 s16, $0x480  }
.Ltmp4:
0x51: {  	s16 =	sadd.s32 $0x80, s16;
	(pc) =	sbr.rel @p1 .LBB2_5-.Ltmp4, $2  }
0x52: {  	_ =	sdelay $0x2  }
0x53: {  	s15 =	sadd.s32 $0x400, s15;
	s17 =	sadd.s32 s17, s13  }
.Ltmp5:
0x54: {  	_ = 	snop;
	(pc) =	sbr.rel .LBB2_6-.Ltmp5, $1  }
0x55: {  	_ =	sdelay $0x3  }
.LBB2_8:
0x56: {  	_ =	sfence.sel $0x180000  }
0x57: {  	s1 =	simm.s32 $0x2;
	[bflag:$0x0] =	sbarrier.arrive $0xFFFF  }
0x58: {  	s30 =	simm.s32 $0x3;
	[sflag:s1] =	ssyncpa.u1 $0x1  }
0x59: {  	s31 =	simm.s32 $0x1;
	[sflag:s30] =	ssyncpa.u1 $0x1  }
0x5a: {  	[sflag:s31] =	ssyncpa.u1 $0x1  }
0x5b: {  	p0 =	sne.s32 s0, $0x0;
	_ =	strace $0x9000004A  }
0x5c: {  	s0 =	sadd.s32 @!p0 $0x100000, s2;
	[bflag:$0x2] =	sbarrier.arrive $0xFFFF  }
0x5d: {  	[sflag:s0] =	ssyncadd.tile.s32 @!p0 $0x1;
	_ =	shalt  }
.Lfunc_end2:
_tile_overlayer_lowered:
.L_overlay_start_2:
0x5e: {  	(tag) =	ssettag $0x2  }
0x5f: {  	s0 =	rddreg [dreg:$0x0];
	s2 =	stileid.u32  }
0x60: {  	s1 =	rddreg [dreg:$0x1];
	p0 =	sne.s32 s2, $0x0  }
0x61: {  	s3 =	rddreg [dreg:$0x2];
	[bflag:$0x3] =	sbarrier.arrive $0xFFFF;
	s2 =	simm.s32 @!p0 $0x1C01  }
0x62: {  	[timem:s3], [sflag:s2] =	dma.local @!p0 [hbm:s0], s1  }
0x63: {  	s0 =	simm.s32 @!p0 $0x1  }
0x64: {  	_ =	swait.ge @!p0 [sflag:s0], s1  }
0x65: {  	s1 =	ssub.s32 @!p0 $0x0, s1;
	[sflag:s0] =	ssyncset.done @!p0 $0x0  }
0x66: {  	[sflag:s0] =	ssyncadd.s32 @!p0 s1  }
0x67: {  	[bflag:$0x3] =	sbarrier.arrive $0xFFFF  }
0x68: {  	_ =	shalt  }

// kernel: gather_offload_async_start
scs
__scs_entry_jumppad:
0x0: {  	(pc) =	sbr.rel $0x88, $3  }
0x1: {  	(tag) =	ssettag $0x0;
	lr =	simm.s32 $0x1  }
0x2: {  	[smem:$0x3F9E] =	sst lr;
	_ =	strace $0xD0000000  }
0x3: {  	_ = 	snop  }
0x4: {  	_ = 	snop  }
0x5: {  	_ = 	snop  }
0x6: {  	_ = 	snop  }
0x7: {  	_ = 	snop  }
__scs_overlays_trampoline_lowered:
0x8: {  	[smem:$0x3FAD] =	sst s0  }
0x9: {  	[smem:$0x3FAE] =	sst s1  }
0xa: {  	[smem:$0x3FAF] =	sst s2  }
0xb: {  	[smem:$0x3FB0] =	sst s3  }
0xc: {  	[smem:$0x3FB1] =	sst s4  }
0xd: {  	[smem:$0x3FB2] =	sst s5  }
0xe: {  	[smem:$0x3FB3] =	sst s6  }
0xf: {  	[smem:$0x3FB4] =	sst s7  }
0x10: {  	[smem:$0x3FB5] =	sst s8  }
0x11: {  	[smem:$0x3FB6] =	sst s9;
	s0 =	simm.s32 @!p0 $0x0  }
0x12: {  	s1 =	sld [smem:$0x3F9C];
	s0 =	simm.s32 @p0 $0x1  }
0x13: {  	[smem:$0x3FB7] =	sst s0;
	s0 =	simm.s32 @!p1 $0x0  }
0x14: {  	s2 =	sld [smem:$0x3F9B];
	s0 =	simm.s32 @p1 $0x1  }
0x15: {  	[smem:$0x3FB8] =	sst s0;
	s0 =	simm.s32 @!p2 $0x0  }
0x16: {  	s3 =	sld [smem:$0x3FDB];
	s0 =	simm.s32 @p2 $0x1  }
0x17: {  	s4 =	simm.s32 $0x1BF5;
	[smem:$0x3FBA] =	sst s0  }
0x18: {  	s0 =	sld [smem:$0x3F9D];
	_ =	swait.ge [sflag:s4], $0x0  }
0x19: {  	s7 =	sld [smem:$0x3F9E]  }
0x1a: {  	s8 =	sadd.s32 $0xFFFFE003, lr  }
0x1b: {  	s9 =	sadd.s32 $0xFFFFFEF7, lr;
	s5 =	simm.s32 $0xFFFFFFFF;
	p2 =	slt.u32 s8, $0xFFFFF086  }
0x1c: {  	p1 =	slt.u32 s9, $0xF7A;
	s5 =	simm.s32 @!p2 $0x0  }
0x1d: {  	s5 =	simm.s32 @p1 $0x1;
	p0 =	seq.s32 s7, s2  }
0x1e: {  	s7 =	smul.u32 @!p0 $0xF7A, s2;
	p2 =	seq.s32 @!p0 s5, $0x0  }
0x1f: {  	s9 =	smul.u32 $0xF7A, s1;
	s8 =	simm.s32 @!p0 $0x1BF5;
	p2 =	por !p2, p0  }
0x20: {  	[sflag:s8] =	ssyncset.s32 @!p0 $0xFFFFF086;
	s6 =	sadd.s32 @!p0 s3, s7;
	s7 =	simm.s32 @!p0 $0x108  }
0x21: {  	s3 =	sadd.s32 s3, s9;
	s6 =	sadd.s32 @!p0 $0x88, s6;
	s7 =	simm.s32 @p2 $0x1082  }
0x22: {  	[simem:s7], [sflag:s8] =	dma.local @!p0 [hbm:s6], $0xF7A  }
0x23: {  	s9 =	sor.u32 $0xD0000000, s2;
	s6 =	simm.s32 $0x108;
	_ =	swait.ge @!p0 [sflag:s8], $0x0  }
0x24: {  	s3 =	sadd.s32 $0x88, s3;
	s6 =	simm.s32 @!p1 $0x1082;
	[sflag:s4] =	ssyncset.s32 $0xFFFFF086  }
0x25: {  	[simem:s6], [sflag:s4] =	dma.local [hbm:s3], $0xF7A  }
0x26: {  	[smem:$0x3F9E] =	sst s1;
	(tag) =	ssettag s2;
	_ =	strace s9  }
0x27: {  	s1 =	sld [smem:$0x3FAE]  }
0x28: {  	s2 =	sld [smem:$0x3FAF]  }
0x29: {  	s4 =	sld [smem:$0x3FB1]  }
0x2a: {  	p0 =	seq.s32 s5, $0x0;
	s5 =	sld [smem:$0x3FB2]  }
0x2b: {  	s6 =	sld [smem:$0x3FB3]  }
0x2c: {  	s7 =	sld [smem:$0x3FB4]  }
0x2d: {  	s3 =	simm.s32 $0x108;
	s8 =	sld [smem:$0x3FB5]  }
0x2e: {  	s3 =	simm.s32 @!p0 $0x1082;
	s9 =	sld [smem:$0x3FB6]  }
0x2f: {  	lr =	sadd.s32 s0, s3;
	s0 =	sld [smem:$0x3FAD]  }
0x30: {  	s3 =	sld [smem:$0x3FB0]  }
0x31: {  	[smem:$0x3FB9] =	sst s10  }
0x32: {  	s10 =	sld [smem:$0x3FB7];
	_ =	sdelay $0x3  }
0x33: {  	p0 =	seq.s32 s10, $0x1;
	s10 =	sld [smem:$0x3FB9];
	_ =	sdelay $0x3  }
0x34: {  	[smem:$0x3FB9] =	sst s10  }
0x35: {  	s10 =	sld [smem:$0x3FB8];
	_ =	sdelay $0x3  }
0x36: {  	p1 =	seq.s32 s10, $0x1;
	s10 =	sld [smem:$0x3FB9];
	_ =	sdelay $0x3  }
0x37: {  	[smem:$0x3FB9] =	sst s10  }
0x38: {  	s10 =	sld [smem:$0x3FBA]  }
0x39: {  	_ = 	snop;
	(pc) =	sbr.ind lr, $3  }
0x3a: {  	_ = 	snop  }
0x3b: {  	_ = 	snop  }
0x3c: {  	p2 =	seq.s32 s10, $0x1;
	s10 =	sld [smem:$0x3FB9]  }
0x3d: {  	_ =	shalt  }
0x3e: {  	_ =	shalt  }
0x3f: {  	_ =	shalt  }
0x40: {  	_ =	shalt  }
0x41: {  	_ =	shalt  }
0x42: {  	_ =	shalt  }
0x43: {  	_ =	shalt  }
0x44: {  	_ =	shalt  }
0x45: {  	_ =	shalt  }
0x46: {  	_ =	shalt  }
0x47: {  	_ =	shalt  }
0x48: {  	_ =	shalt  }
0x49: {  	_ =	shalt  }
0x4a: {  	_ =	shalt  }
0x4b: {  	_ =	shalt  }
0x4c: {  	_ =	shalt  }
0x4d: {  	_ =	shalt  }
0x4e: {  	_ =	shalt  }
0x4f: {  	_ =	shalt  }
0x50: {  	_ =	shalt  }
0x51: {  	_ =	shalt  }
0x52: {  	_ =	shalt  }
0x53: {  	_ =	shalt  }
0x54: {  	_ =	shalt  }
0x55: {  	_ =	shalt  }
0x56: {  	_ =	shalt  }
0x57: {  	_ =	shalt  }
0x58: {  	_ =	shalt  }
0x59: {  	_ =	shalt  }
0x5a: {  	_ =	shalt  }
0x5b: {  	_ =	shalt  }
0x5c: {  	_ =	shalt  }
0x5d: {  	_ =	shalt  }
0x5e: {  	_ =	shalt  }
0x5f: {  	_ =	shalt  }
0x60: {  	_ =	shalt  }
0x61: {  	_ =	shalt  }
0x62: {  	_ =	shalt  }
0x63: {  	_ =	shalt  }
0x64: {  	_ =	shalt  }
0x65: {  	_ =	shalt  }
0x66: {  	_ =	shalt  }
0x67: {  	_ =	shalt  }
0x68: {  	_ =	shalt  }
0x69: {  	_ =	shalt  }
0x6a: {  	_ =	shalt  }
0x6b: {  	_ =	shalt  }
0x6c: {  	_ =	shalt  }
0x6d: {  	_ =	shalt  }
0x6e: {  	_ =	shalt  }
0x6f: {  	_ =	shalt  }
0x70: {  	_ =	shalt  }
0x71: {  	_ =	shalt  }
0x72: {  	_ =	shalt  }
0x73: {  	_ =	shalt  }
0x74: {  	_ =	shalt  }
0x75: {  	_ =	shalt  }
0x76: {  	_ =	shalt  }
0x77: {  	_ =	shalt  }
0x78: {  	_ =	shalt  }
0x79: {  	_ =	shalt  }
0x7a: {  	_ =	shalt  }
0x7b: {  	_ =	shalt  }
0x7c: {  	_ =	shalt  }
0x7d: {  	_ =	shalt  }
0x7e: {  	_ =	shalt  }
0x7f: {  	_ =	shalt  }
0x80: {  	_ =	shalt  }
0x81: {  	_ =	shalt  }
0x82: {  	_ =	shalt  }
0x83: {  	_ =	shalt  }
0x84: {  	_ =	shalt  }
0x85: {  	_ =	shalt  }
0x86: {  	_ =	shalt  }
0x87: {  	_ =	shalt  }
.Lfunc_end0:
.L_simem_size_0:
called_computation_lowered:
.L_overlay_start_0:
0x88: {  	s0 =	sld [smem:$0x3FD9]  }
0x89: {  	s1 =	sld [smem:$0x3FFE];
	_ =	sdelay $0x3  }
0x8a: {  	s0 =	sadd.s32 s1, s0  }
0x8b: {  	[smem:$0x3FC5] =	sst s0  }
0x8c: {  	_ = 	snop  }
0x8d: {  	s0 =	sld [smem:$0x3FD0];
	(tm) =	ssettm $0x1  }
0x8e: {  	s16 =	sld [smem:$0x3FFB];
	_ =	sdelay $0x3  }
0x8f: {  	_ =	strace s16  }
0x90: {  	s1 =	sld [smem:$0x3FFC];
	_ =	sdelay $0x3  }
0x91: {  	_ =	strace s1  }
0x92: {  	s1 =	sld [smem:$0x3FFD];
	_ =	sdelay $0x3  }
0x93: {  	_ =	strace s1  }
0x94: {  	_ =	strace $0x8FFFFFFF  }
0x95: {  	s17 =	sld [smem:$0x3FDB];
	_ =	sdelay $0x1  }
0x96: {  	s2 =	simm.s32 $_scs_section_size  }
0x97: {  	s3 =	simm.s32 $_size__tile_overlayer_lowered;
	s4 =	simm.s32 $_tile_overlayer_lowered  }
0x98: {  	s20 =	simm.s32 $0x1BFF;
	s19 =	sshll.u32 s4, $0x1;
	s1 =	sadd.s32 s2, s17  }
0x99: {  	s5 =	simm.s32 $0x0;
	s18 =	sshll.u32 s3, $0x1;
	s3 =	sadd.s32 s19, s1  }
0x9a: {  	[timem:s5], [sflag:s20] =	dma.local [hbm:s3], s18  }
0x9b: {  	_ =	swait.ge [sflag:s20], s18  }
0x9c: {  	s2 =	ssub.s32 $0x0, s18;
	[sflag:s20] =	ssyncset.done $0x0  }
0x9d: {  	[sflag:s20] =	ssyncadd.s32 s2;
	_ =	sdelay $0x1  }
0x9e: {  	s21 =	simm.s32 $0x1B8B  }
0x9f: {  	_ =	swait.ge [sflag:s21], $0x1  }
0xa0: {  	[sflag:s21] =	ssyncset.done $0x0  }
0xa1: {  	s23 =	simm.s32 $0x1B8E;
	s22 =	sld [smem:$0x3FFE];
	[sflag:s21] =	ssyncadd.s32 $0xFFFFFFFF  }
0xa2: {  	s24 =	simm.s32 $execute0_lowered;
	[smem:$0x3FD2] =	sst s23  }
0xa3: {  	s3 =	sshll.u32 s24, $0x1;
	_ =	strace $0x80000046;
	[dreg:$0x1] =	wrdreg $0xFFFFFFFF  }
0xa4: {  	s25 =	simm.s32 $_size_execute0_lowered;
	s1 =	sadd.s32 s1, s3;
	[dreg:$0x0] =	wrdreg $0x0  }
0xa5: {  	s3 =	sshll.u32 s25, $0x1;
	[dreg:$0x2] =	wrdreg s1  }
0xa6: {  	[dreg:$0x3] =	wrdreg s3  }
0xa7: {  	[dreg:$0x4] =	wrdreg $0xC0  }
0xa8: {  	_ =	task [dreg:s5], $0x5FFFF  }
0xa9: {  	[dreg:$0x1] =	wrdreg $0xFFFFFFFF  }
0xaa: {  	[dreg:$0x0] =	wrdreg $0x60  }
0xab: {  	[dreg:$0x2] =	wrdreg s22  }
0xac: {  	[dreg:$0x3] =	wrdreg s0  }
0xad: {  	[dreg:$0x4] =	wrdreg $0x9  }
0xae: {  	_ =	task.clear_ibuf [dreg:s5], $0x5FFFF;
	_ =	strace $0x90000046  }
0xaf: {  	s26 =	simm.s32 $0x9;
	_ =	strace $0x80000048  }
0xb0: {  	_ =	swait.ge [sflag:s26], $0x1  }
0xb1: {  	[sflag:s26] =	ssyncadd.s32 $0xFFFFFFFF  }
0xb2: {  	_ =	strace $0x90000048  }
0xb3: {  	_ =	sfence  }
0xb4: {  	s28 =	sld [smem:$0x0];
	_ =	sdelay $0x1  }
0xb5: {  	s29 =	srdreg.scid  }
0xb6: {  	s30 =	sshll.u32 s29, $0xD;
	s31 =	sshrl.u32 s29, $0x2  }
0xb7: {  	s2 =	sand.u32 $0x4000, s30;
	s1 =	sand.u32 $0x1, s29;
	s0 =	sadd.s32 s31, s28  }
0xb8: {  	s1 =	sor.u32 s2, s1;
	s0 =	sshll.u32 s0, $0x11  }
0xb9: {  	s0 =	sor.u32 s0, s1  }
0xba: {  	s0 =	sadd.s32 $0x8F2B, s0  }
0xbb: {  	[sflag:s0] =	ssyncadd.remote.s32 $0x1  }
0xbc: {  	_ =	sfence.sel $0xFFFF  }
0xbd: {  	[dreg:$0x0] =	wrdreg $0xFFFFFFFF;
	(pc) =	sbr.abs _section_cstart, $3  }
0xbe: {  	[dreg:$0x1] =	wrdreg $0xFFFFFFFF  }
0xbf: {  	_ =	task.clear_ibuf [dreg:s5], $0x2FFFF;
	_ =	strace $0x9FFFFFFF  }
0xc0: {  	(tm) =	ssettm $0x7FFFFFFF  }
0xc1: {  	_ =	shalt  }
tec
execute0_lowered:
.L_overlay_start_1:
0x0: {  	(tag) =	ssettag $0x1  }
0x1: {  	s0 =	stileid.u32  }
0x2: {  	s1 =	smin.u32 s0, $0x9  }
0x3: {  	s1 =	sadd.s32 s0, s1  }
0x4: {  	s2 =	simm.s32 $0xA0;
	p0 =	slt.u32 s0, $0x9;
	s1 =	smul.u32 $0x50, s1  }
0x5: {  	s2 =	simm.s32 @!p0 $0x50  }
0x6: {  	s2 =	sadd.s32 s2, s1  }
0x7: {  	s3 =	smin.u32 s2, $0x7D0  }
0x8: {  	s7 =	ssub.s32 s3, s1  }
0x9: {  	p0 =	sgt.s32 s7, $0x0  }
0xa: {  	s7 =	simm.s32 @!p0 $0x0  }
0xb: {  	s4 =	rddreg [dreg:$0x0];
	s31 =	smul.u32 $0xCCCD, s7  }
0xc: {  	s5 =	rddreg [dreg:$0x1]  }
0xd: {  	s6 =	simm.s32 $0x1;
	s10 =	simm.s32 $0x3;
	s8 =	sshrl.u32 s31, $0x16  }
0xe: {  	s13 =	simm.s32 $0x0;
	s12 =	simm.s32 $0x0;
	s9 =	smul.u32 $0x50, s8  }
.Ltmp0:
0xf: {  	s11 =	smov.u32 s1;
	s2 =	rddreg [dreg:$0x2];
	(pc) =	sbr.rel .LBB2_1-.Ltmp0, $4  }
0x10: {  	_ =	strace $0x80000047;
	p0 =	sne.s32 s7, s9;
	s9 =	simm.s32 $0x1  }
0x11: {  	[sflag:s6] =	ssyncpa.u1 $0x0;
	s7 =	simm.s32 $0x2;
	s9 =	simm.s32 @!p0 $0x0  }
0x12: {  	[sflag:s7] =	ssyncpa.u1 $0x0;
	p0 =	por $0x0, $0x0;
	s8 =	sadd.s32 s8, s9  }
0x13: {  	vm0 =	vmmov $0xff;
	vm1 =	vcmask $0x3F20;
	s9 =	sadd.s32 $0x4E200, s4;
	[sflag:s10] =	ssyncpa.u1 $0x0;
	s10 =	sadd.s32 $0x1, s8  }
.LBB2_6:
0x14: {  	[hbm:s17] =	stream.linear.scatter [tilespmem:s14], [sflag:$0x3], $0x400, $0x38;
	[tilespmem:$0x50A0] =	vst v63  }
.LBB2_7:
0x15: {  	s13 =	sadd.s32 $0x50, s11  }
0x16: {  	s15 =	smov.u32 s1;
	p2 =	slt.s32 s13, s3  }
0x17: {  	s15 =	smov.u32 @p2 s13;
	p2 =	sne.s32 s12, s10  }
.Ltmp1:
0x18: {  	p1 =	slt.u32 s12, $0x2;
	(pc) =	sbr.rel @!p2 .LBB2_8-.Ltmp1, $4  }
0x19: {  	s14 =	simm.s32 @!p1 $0x3  }
0x1a: {  	s16 =	sadd.s32 $0x1, s12;
	_ =	swait.ge @!p1 [sflag:s14], $0x2800  }
0x1b: {  	p0 =	por !p0, !p0;
	s13 =	smov.u32 s11;
	[sflag:s14] =	ssyncset.done @!p1 $0x0  }
0x1c: {  	s12 =	smov.u32 s16;
	s11 =	smov.u32 s15;
	[sflag:s14] =	ssyncadd.s32 @!p1 $0xFFFFD800  }
.LBB2_1:
0x1d: {  	p1 =	sge.u32 s12, s8  }
0x1e: {  	s14 =	sxor.u32 @!p1 $0xFFFFFFFF, s12  }
0x1f: {  	s14 =	sand.u32 @!p1 $0x1, s14  }
0x20: {  	s14 =	smul.u32 @!p1 $0x140, s14  }
0x21: {  	s31 =	sadd.s32 $0xFFFFFFFF, s12;
	s15 =	sshrl.u32 @!p1 s11, $0x3  }
0x22: {  	s16 =	sand.u32 @!p1 $0x7, s11;
	s15 =	sadd.s32 @!p1 s5, s15;
	s14 =	sshrl.u32 @!p1 s14, $0x2  }
0x23: {  	[tilespmem:s14], [sflag:$0x2] =	stream.linear.gather @!p1 [hbm4b:s15+s16], $0x50, $0x38;
	[tilespmem:$0x50A0] =	vst v63  }
0x24: {  	p1 =	sge.u32 s31, s8  }
.Ltmp2:
0x25: {  	_ = 	snop;
	(pc) =	sbr.rel @p1 .LBB2_7-.Ltmp2, $1  }
0x26: {  	_ =	sdelay $0x3  }
0x27: {  	s14 =	simm.s32 $0x1  }
0x28: {  	s14 =	simm.s32 @!p0 $0x0  }
0x29: {  	s15 =	smul.u32 $0x140, s14  }
0x2a: {  	_ =	swait.ge [sflag:s7], $0x50  }
0x2b: {  	[sflag:s7] =	ssyncset.done $0x0;
	s16 =	sshrl.u32 s15, $0x2  }
0x2c: {  	[sflag:s7] =	ssyncadd.s32 $0xFFFFFFB0;
	s15 =	sadd.s32 $0x0, s16  }
0x2d: {  	v0 =	vld.msk [tilespmem:s15+$0x0 ss:$0x1], $0xffff;
	_ =	sdelay $0x4  }
0x2e: {  	vm2 =	vgt.s32 v0, $0x0  }
0x2f: {  	v0 =	vnsel vm2, $0x0, v0  }
0x30: {  	v0 =	vmin.u32 v0, $0x4E1F  }
0x31: {  	v0 =	vshll.u32 v0, $0x4  }
0x32: {  	s14 =	smul.u32 $0xA000, s14;
	_ =	sdelay $0x1  }
0x33: {  	s14 =	sshrl.u32 s14, $0x2  }
0x34: {  	s14 =	sor.u32 $0xA0, s14  }
0x35: {  	[tilespmem:s14], [sflag:$0x1] =	stream.indirect_vreg.gather [hbm:s4], $0x80, v0, vm0, $0x38;
	[tilespmem:$0x50A0] =	vst v63  }
0x36: {  	s17 =	sadd.s32 $0x10, s16;
	s15 =	sadd.s32 $0x400, s14  }
0x37: {  	[tilespmem:s15], [sflag:$0x1] =	stream.indirect_vreg.gather [hbm:s4], $0x80, v0, vm1, $0x38;
	[tilespmem:$0x50A0] =	vst v63  }
0x38: {  	s18 =	simm.s32 $0x80;
	v0 =	vld.msk [tilespmem:s17+$0x0 ss:$0x1], $0xffff;
	s17 =	smov.u32 s14  }
.LBB2_3:
0x39: {  	p1 =	sne.s32 s18, $0x100;
	_ =	sdelay $0x4  }
0x3a: {  	vm2 =	vgt.s32 v0, $0x0  }
0x3b: {  	v0 =	vnsel vm2, $0x0, v0  }
0x3c: {  	v0 =	vmin.u32 v0, $0x4E1F  }
0x3d: {  	v0 =	vshll.u32 v0, $0x4;
	_ =	sdelay $0x3  }
.Ltmp3:
0x3e: {  	s19 =	sshra.s32 s18, $0x2;
	s17 =	sadd.s32 $0x800, s17;
	(pc) =	sbr.rel @p1 .LBB2_3-.Ltmp3, $4  }
0x3f: {  	[tilespmem:s17], [sflag:$0x1] =	stream.indirect_vreg.gather [hbm:s4], $0x80, v0, vm0, $0x38;
	[tilespmem:$0x50A0] =	vst v63  }
0x40: {  	s19 =	sadd.s32 s19, s16;
	s20 =	sadd.s32 $0x400, s17  }
0x41: {  	[tilespmem:s20], [sflag:$0x1] =	stream.indirect_vreg.gather [hbm:s4], $0x80, v0, vm1, $0x38;
	[tilespmem:$0x50A0] =	vst v63  }
0x42: {  	s18 =	sadd.s32 $0x40, s18;
	v0 =	vld.msk [tilespmem:s19+$0x0 ss:$0x1], $0xffff  }
0x43: {  	_ =	sdelay $0x3  }
0x44: {  	vm2 =	vgt.s32 v0, $0x0  }
0x45: {  	v0 =	vnsel vm2, $0x0, v0  }
0x46: {  	v0 =	vmin.u32 v0, $0x4E1F  }
0x47: {  	v0 =	vshll.u32 v0, $0x4;
	_ =	sdelay $0x3  }
0x48: {  	s16 =	sadd.s32 $0x800, s17  }
0x49: {  	[tilespmem:s16], [sflag:$0x1] =	stream.indirect_vreg.gather [hbm:s4], $0x80, v0, vm0, $0x38;
	[tilespmem:$0x50A0] =	vst v63  }
0x4a: {  	s16 =	sadd.s32 $0x400, s16  }
0x4b: {  	[tilespmem:s16], [sflag:$0x1] =	stream.indirect_vreg.gather [hbm:s4], $0x80, v0, vm1, $0x38;
	[tilespmem:$0x50A0] =	vst v63  }
0x4c: {  	s13 =	sshll.u32 s13, $0x4;
	_ =	swait.ge [sflag:s6], $0x2800  }
0x4d: {  	s13 =	sadd.s32 s13, s9;
	[sflag:s6] =	ssyncset.done $0x0  }
0x4e: {  	s17 =	sadd.s32 $0x0, s13;
	s16 =	simm.s32 $0x80;
	[sflag:s6] =	ssyncadd.s32 $0xFFFFD800  }
.LBB2_5:
0x4f: {  	[hbm:s17] =	stream.linear.scatter [tilespmem:s14], [sflag:$0x3], $0x400, $0x38;
	[tilespmem:$0x50A0] =	vst v63  }
0x50: {  	s17 =	smov.u32 s16;
	s14 =	smov.u32 s15;
	p1 =	sne.s32 s16, $0x480  }
.Ltmp4:
0x51: {  	s16 =	sadd.s32 $0x80, s16;
	(pc) =	sbr.rel @p1 .LBB2_5-.Ltmp4, $2  }
0x52: {  	_ =	sdelay $0x2  }
0x53: {  	s15 =	sadd.s32 $0x400, s15;
	s17 =	sadd.s32 s17, s13  }
.Ltmp5:
0x54: {  	_ = 	snop;
	(pc) =	sbr.rel .LBB2_6-.Ltmp5, $1  }
0x55: {  	_ =	sdelay $0x3  }
.LBB2_8:
0x56: {  	_ =	sfence.sel $0x180000  }
0x57: {  	s1 =	simm.s32 $0x2;
	[bflag:$0x0] =	sbarrier.arrive $0xFFFF  }
0x58: {  	s30 =	simm.s32 $0x3;
	[sflag:s1] =	ssyncpa.u1 $0x1  }
0x59: {  	s31 =	simm.s32 $0x1;
	[sflag:s30] =	ssyncpa.u1 $0x1  }
0x5a: {  	[sflag:s31] =	ssyncpa.u1 $0x1  }
0x5b: {  	p0 =	sne.s32 s0, $0x0;
	_ =	strace $0x90000047  }
0x5c: {  	s0 =	sadd.s32 @!p0 $0x100000, s2;
	[bflag:$0x2] =	sbarrier.arrive $0xFFFF  }
0x5d: {  	[sflag:s0] =	ssyncadd.tile.s32 @!p0 $0x1;
	_ =	shalt  }
.Lfunc_end2:
_tile_overlayer_lowered:
.L_overlay_start_2:
0x5e: {  	(tag) =	ssettag $0x2  }
0x5f: {  	s0 =	rddreg [dreg:$0x0];
	s2 =	stileid.u32  }
0x60: {  	s1 =	rddreg [dreg:$0x1];
	p0 =	sne.s32 s2, $0x0  }
0x61: {  	s3 =	rddreg [dreg:$0x2];
	[bflag:$0x3] =	sbarrier.arrive $0xFFFF;
	s2 =	simm.s32 @!p0 $0x1C01  }
0x62: {  	[timem:s3], [sflag:s2] =	dma.local @!p0 [hbm:s0], s1  }
0x63: {  	s0 =	simm.s32 @!p0 $0x1  }
0x64: {  	_ =	swait.ge @!p0 [sflag:s0], s1  }
0x65: {  	s1 =	ssub.s32 @!p0 $0x0, s1;
	[sflag:s0] =	ssyncset.done @!p0 $0x0  }
0x66: {  	[sflag:s0] =	ssyncadd.s32 @!p0 s1  }
0x67: {  	[bflag:$0x3] =	sbarrier.arrive $0xFFFF  }
0x68: {  	_ =	shalt  }

</sc_bundles>
